<compile_context>
chip_gen: v7x
topology: tpu7x:2x2x1
jax: 0.10.2.dev20260603
libtpu: 0.0.44.dev20260713+nightly
codegen_flags: <defaults>
</compile_context>

<pallas_src>
import functools

import jax
import jax.numpy as jnp
from jax import lax
from jax.experimental import pallas as pl
from jax.experimental.pallas import tpu as pltpu
from jax.experimental.pallas import tpu_sc as plsc

EMBED_DIM = 128
CHUNK = 128
NBUF = 4


@functools.lru_cache(maxsize=None)
def _make_gather(B: int, vocab: int, d: int):
    info = plsc.get_sparse_core_info()
    nc, ns = info.num_cores, info.num_subcores
    nw = nc * ns
    assert B % (nw * CHUNK) == 0
    b_per_w = B // nw
    n_ch = b_per_w // CHUNK
    assert n_ch % NBUF == 0
    t_outer = n_ch // NBUF

    mesh = plsc.VectorSubcoreMesh(core_axis_name="c", subcore_axis_name="s")

    @functools.partial(
        pl.kernel,
        mesh=mesh,
        out_type=jax.ShapeDtypeStruct((B, d), jnp.float32),
        scratch_types=[
            pltpu.VMEM((NBUF, CHUNK), jnp.int32),
            pltpu.VMEM((NBUF, CHUNK, d), jnp.float32),
        ]
        + [pltpu.SemaphoreType.DMA] * (2 * NBUF),
    )
    def k(ids_hbm, table_hbm, out_hbm, idx_v, rows_v, *sems):
        gsem = sems[:NBUF]
        osem = sems[NBUF:]
        wid = lax.axis_index("s") * nc + lax.axis_index("c")
        base = wid * b_per_w

        def fetch(g, b):
            off = base + g * CHUNK
            pltpu.sync_copy(ids_hbm.at[pl.ds(off, CHUNK)], idx_v.at[b])
            pltpu.async_copy(table_hbm.at[idx_v.at[b]], rows_v.at[b], gsem[b])

        def wait_gather(b):
            pltpu.make_async_copy(
                table_hbm.at[idx_v.at[b]], rows_v.at[b], gsem[b]
            ).wait()

        def out_start(g, b):
            off = base + g * CHUNK
            pltpu.async_copy(rows_v.at[b], out_hbm.at[pl.ds(off, CHUNK)], osem[b])

        def wait_out(g, b):
            off = base + g * CHUNK
            pltpu.make_async_copy(
                rows_v.at[b], out_hbm.at[pl.ds(off, CHUNK)], osem[b]
            ).wait()

        for b in range(NBUF):
            fetch(b, b)

        def body(t, carry):
            for b in range(NBUF):
                g = t * NBUF + b
                wait_gather(b)
                out_start(g, b)
            for b in range(NBUF):
                g = t * NBUF + b

                @pl.when(t + 1 < t_outer)
                def _():
                    wait_out(g, b)
                    fetch(g + NBUF, b)

            return carry

        lax.fori_loop(0, t_outer, body, 0)

        for b in range(NBUF):
            g = (t_outer - 1) * NBUF + b
            wait_out(g, b)

    return k


def kernel(input_ids, weight):
    bsz, seq = input_ids.shape
    vocab, d = weight.shape
    ids = input_ids.reshape(-1).astype(jnp.int32)
    out = _make_gather(bsz * seq, vocab, d)(ids, weight)
    return out.reshape(bsz, seq, d)

# --- scband reference (transcript-rebuilt; emitter-appended) ---
"""Pipeline reference for scband-pinyin-embedding-79302276153658 (READ-ONLY COPY).

The authoritative reference and input builder live on the scoring server;
editing this copy changes nothing except your own understanding.
"""

import jax, jax.numpy as jnp
import numpy as np

VOCAB = 1002  # len(pinyin2idx) + 2
EMBED_DIM = 128


def setup_inputs(seed: int = 0) -> dict:
    key = jax.random.key(seed)
    k_ids, k_w = jax.random.split(key)
    input_ids = jax.random.randint(k_ids, (4096, 200), 0, VOCAB, dtype=jnp.int64 if jax.config.jax_enable_x64 else jnp.int32)
    bound = (3.0 / EMBED_DIM) ** 0.5
    weight = jax.random.uniform(k_w, (VOCAB, EMBED_DIM), dtype=jnp.float32, minval=-bound, maxval=bound)
    # padding_idx=0 -> row 0 is zeros
    weight = weight.at[0].set(0.0)
    return {"input_ids": input_ids, "weight": weight}


def reference(input_ids, weight):
    # nn.Embedding forward: pure gather on the embedding table
    return jnp.take(weight, input_ids, axis=0)

if __name__ == "__main__":
    import jax
    _d = setup_inputs()
    print(jax.jit(kernel)(*tuple(_d.values())))

</pallas_src>

<mosaic_0001>
#map = affine_map<(d0, d1) -> (0)>
#map1 = affine_map<(d0, d1) -> (0, 0)>
module attributes {stable_mosaic.version = 14 : i64} {
  func.func @k(%arg0: i32, %arg1: i32, %arg2: memref<819200xi32, #tpu.memory_space<hbm>>, %arg3: memref<1002x128xf32, #tpu.memory_space<hbm>>, %arg4: memref<819200x128xf32, #tpu.memory_space<hbm>>, %arg5: memref<4x128xi32, #tpu.memory_space<vmem>>, %arg6: memref<4x128x128xf32, #tpu.memory_space<vmem>>, %arg7: memref<!tpu.dma_semaphore, #tpu.memory_space<semaphore_mem>>, %arg8: memref<!tpu.dma_semaphore, #tpu.memory_space<semaphore_mem>>, %arg9: memref<!tpu.dma_semaphore, #tpu.memory_space<semaphore_mem>>, %arg10: memref<!tpu.dma_semaphore, #tpu.memory_space<semaphore_mem>>, %arg11: memref<!tpu.dma_semaphore, #tpu.memory_space<semaphore_mem>>, %arg12: memref<!tpu.dma_semaphore, #tpu.memory_space<semaphore_mem>>, %arg13: memref<!tpu.dma_semaphore, #tpu.memory_space<semaphore_mem>>, %arg14: memref<!tpu.dma_semaphore, #tpu.memory_space<semaphore_mem>>) attributes {dimension_semantics = [#tpu.dimension_semantics<core_parallel>, #tpu.dimension_semantics<subcore_parallel>], iteration_bounds = array<i64: 2, 16>, scalar_prefetch = 0 : i64, scratch_operands = 10 : i64, tpu.core_type = #tpu.core_type<sc_vector_subcore>, window_params = [{transform_indices = #map}, {transform_indices = #map1}, {transform_indices = #map1}]} {
    %mul3A = arith.constant 2 : i32
    %mul3A_0 = arith.muli %arg1, %mul3A : i32
    %add3A = arith.addi %mul3A_0, %arg0 : i32
    %mul3A_1 = arith.constant 25600 : i32
    %mul3A_2 = arith.muli %add3A, %mul3A_1 : i32
    %add3A_3 = arith.constant 0 : i32
    %add3A_4 = arith.addi %mul3A_2, %add3A_3 : i32
    %run_scoped3A = arith.constant 0 : i32
    "tpu.region"() ({
      %run_scoped3A_125 = tpu.sem_alloc : memref<!tpu.dma_semaphore, #tpu.memory_space<semaphore_mem>>
      %dma_start3A_126 = arith.constant 0 : i32
      %dma_start3A_127 = tpu.memref_slice %arg5[%run_scoped3A, %dma_start3A_126] : memref<4x128xi32, #tpu.memory_space<vmem>> -> memref<1x128xi32, #tpu.memory_space<vmem>>
      %dma_start3A_128 = tpu.memref_squeeze %dma_start3A_127 : memref<1x128xi32, #tpu.memory_space<vmem>> -> memref<128xi32, #tpu.memory_space<vmem>>
      %dma_start3A_129 = tpu.memref_slice %arg2[%add3A_4] : memref<819200xi32, #tpu.memory_space<hbm>> -> memref<128xi32, #tpu.memory_space<hbm>>
      %dma_start3A_130 = arith.constant 0 : i32
      %dma_start3A_131 = tpu.memref_slice %arg5[%run_scoped3A, %dma_start3A_130] : memref<4x128xi32, #tpu.memory_space<vmem>> -> memref<1x128xi32, #tpu.memory_space<vmem>>
      %dma_start3A_132 = tpu.memref_squeeze %dma_start3A_131 : memref<1x128xi32, #tpu.memory_space<vmem>> -> memref<128xi32, #tpu.memory_space<vmem>>
      %dma_start3A_133 = tpu.memref_slice %arg2[%add3A_4] : memref<819200xi32, #tpu.memory_space<hbm>> -> memref<128xi32, #tpu.memory_space<hbm>>
      tpu.enqueue_dma source(%dma_start3A_133 : memref<128xi32, #tpu.memory_space<hbm>>) target(%dma_start3A_132 : memref<128xi32, #tpu.memory_space<vmem>>) target_semaphore(%run_scoped3A_125 : memref<!tpu.dma_semaphore, #tpu.memory_space<semaphore_mem>>)
      %dma_wait3A_134 = arith.constant 0 : i32
      %dma_wait3A_135 = tpu.memref_slice %arg5[%run_scoped3A, %dma_wait3A_134] : memref<4x128xi32, #tpu.memory_space<vmem>> -> memref<1x128xi32, #tpu.memory_space<vmem>>
      %dma_wait3A_136 = tpu.memref_squeeze %dma_wait3A_135 : memref<1x128xi32, #tpu.memory_space<vmem>> -> memref<128xi32, #tpu.memory_space<vmem>>
      %dma_wait3A_137 = tpu.memref_slice %arg2[%add3A_4] : memref<819200xi32, #tpu.memory_space<hbm>> -> memref<128xi32, #tpu.memory_space<hbm>>
      %dma_wait3A_138 = arith.constant 0 : i32
      %dma_wait3A_139 = tpu.memref_slice %arg5[%run_scoped3A, %dma_wait3A_138] : memref<4x128xi32, #tpu.memory_space<vmem>> -> memref<1x128xi32, #tpu.memory_space<vmem>>
      %dma_wait3A_140 = tpu.memref_squeeze %dma_wait3A_139 : memref<1x128xi32, #tpu.memory_space<vmem>> -> memref<128xi32, #tpu.memory_space<vmem>>
      %dma_wait3A_141 = tpu.memref_slice %arg2[%add3A_4] : memref<819200xi32, #tpu.memory_space<hbm>> -> memref<128xi32, #tpu.memory_space<hbm>>
      tpu.wait_dma2 semaphore(%run_scoped3A_125 : memref<!tpu.dma_semaphore, #tpu.memory_space<semaphore_mem>>) src(%dma_wait3A_141 : memref<128xi32, #tpu.memory_space<hbm>>) dst(%dma_wait3A_140 : memref<128xi32, #tpu.memory_space<vmem>>)
      tpu.yield
    }) : () -> ()
    %dma_start3A = arith.constant 0 : i32
    %dma_start3A_5 = arith.constant 0 : i32
    %dma_start3A_6 = arith.constant 0 : i32
    %dma_start3A_7 = arith.constant 0 : i32
    %dma_start3A_8 = tpu.memref_slice %arg6[%dma_start3A_5, %dma_start3A_6, %dma_start3A_7] : memref<4x128x128xf32, #tpu.memory_space<vmem>> -> memref<1x128x128xf32, #tpu.memory_space<vmem>>
    %dma_start3A_9 = tpu.memref_squeeze %dma_start3A_8 : memref<1x128x128xf32, #tpu.memory_space<vmem>> -> memref<128x128xf32, #tpu.memory_space<vmem>>
    %dma_start3A_10 = arith.constant 0 : i32
    %dma_start3A_11 = tpu.memref_slice %arg5[%dma_start3A, %dma_start3A_10] : memref<4x128xi32, #tpu.memory_space<vmem>> -> memref<1x128xi32, #tpu.memory_space<vmem>>
    %dma_start3A_12 = tpu.memref_squeeze %dma_start3A_11 : memref<1x128xi32, #tpu.memory_space<vmem>> -> memref<128xi32, #tpu.memory_space<vmem>>
    %dma_start3A_13 = arith.constant 0 : i32
    %dma_start3A_14 = arith.constant 0 : i32
    %dma_start3A_15 = tpu.memref_slice %arg3[%dma_start3A_13, %dma_start3A_14] : memref<1002x128xf32, #tpu.memory_space<hbm>> -> memref<1002x128xf32, #tpu.memory_space<hbm>>
    tpu.enqueue_indirect_dma source(%dma_start3A_15 : memref<1002x128xf32, #tpu.memory_space<hbm>>) target(%dma_start3A_9 : memref<128x128xf32, #tpu.memory_space<vmem>>) offsets(%dma_start3A_12 : memref<128xi32, #tpu.memory_space<vmem>>) semaphore(%arg7 : memref<!tpu.dma_semaphore, #tpu.memory_space<semaphore_mem>>)
    %add3A_16 = arith.constant 128 : i32
    %add3A_17 = arith.addi %mul3A_2, %add3A_16 : i32
    %run_scoped3A_18 = arith.constant 1 : i32
    "tpu.region"() ({
      %run_scoped3A_125 = tpu.sem_alloc : memref<!tpu.dma_semaphore, #tpu.memory_space<semaphore_mem>>
      %dma_start3A_126 = arith.constant 0 : i32
      %dma_start3A_127 = tpu.memref_slice %arg5[%run_scoped3A_18, %dma_start3A_126] : memref<4x128xi32, #tpu.memory_space<vmem>> -> memref<1x128xi32, #tpu.memory_space<vmem>>
      %dma_start3A_128 = tpu.memref_squeeze %dma_start3A_127 : memref<1x128xi32, #tpu.memory_space<vmem>> -> memref<128xi32, #tpu.memory_space<vmem>>
      %dma_start3A_129 = tpu.memref_slice %arg2[%add3A_17] : memref<819200xi32, #tpu.memory_space<hbm>> -> memref<128xi32, #tpu.memory_space<hbm>>
      %dma_start3A_130 = arith.constant 0 : i32
      %dma_start3A_131 = tpu.memref_slice %arg5[%run_scoped3A_18, %dma_start3A_130] : memref<4x128xi32, #tpu.memory_space<vmem>> -> memref<1x128xi32, #tpu.memory_space<vmem>>
      %dma_start3A_132 = tpu.memref_squeeze %dma_start3A_131 : memref<1x128xi32, #tpu.memory_space<vmem>> -> memref<128xi32, #tpu.memory_space<vmem>>
      %dma_start3A_133 = tpu.memref_slice %arg2[%add3A_17] : memref<819200xi32, #tpu.memory_space<hbm>> -> memref<128xi32, #tpu.memory_space<hbm>>
      tpu.enqueue_dma source(%dma_start3A_133 : memref<128xi32, #tpu.memory_space<hbm>>) target(%dma_start3A_132 : memref<128xi32, #tpu.memory_space<vmem>>) target_semaphore(%run_scoped3A_125 : memref<!tpu.dma_semaphore, #tpu.memory_space<semaphore_mem>>)
      %dma_wait3A_134 = arith.constant 0 : i32
      %dma_wait3A_135 = tpu.memref_slice %arg5[%run_scoped3A_18, %dma_wait3A_134] : memref<4x128xi32, #tpu.memory_space<vmem>> -> memref<1x128xi32, #tpu.memory_space<vmem>>
      %dma_wait3A_136 = tpu.memref_squeeze %dma_wait3A_135 : memref<1x128xi32, #tpu.memory_space<vmem>> -> memref<128xi32, #tpu.memory_space<vmem>>
      %dma_wait3A_137 = tpu.memref_slice %arg2[%add3A_17] : memref<819200xi32, #tpu.memory_space<hbm>> -> memref<128xi32, #tpu.memory_space<hbm>>
      %dma_wait3A_138 = arith.constant 0 : i32
      %dma_wait3A_139 = tpu.memref_slice %arg5[%run_scoped3A_18, %dma_wait3A_138] : memref<4x128xi32, #tpu.memory_space<vmem>> -> memref<1x128xi32, #tpu.memory_space<vmem>>
      %dma_wait3A_140 = tpu.memref_squeeze %dma_wait3A_139 : memref<1x128xi32, #tpu.memory_space<vmem>> -> memref<128xi32, #tpu.memory_space<vmem>>
      %dma_wait3A_141 = tpu.memref_slice %arg2[%add3A_17] : memref<819200xi32, #tpu.memory_space<hbm>> -> memref<128xi32, #tpu.memory_space<hbm>>
      tpu.wait_dma2 semaphore(%run_scoped3A_125 : memref<!tpu.dma_semaphore, #tpu.memory_space<semaphore_mem>>) src(%dma_wait3A_141 : memref<128xi32, #tpu.memory_space<hbm>>) dst(%dma_wait3A_140 : memref<128xi32, #tpu.memory_space<vmem>>)
      tpu.yield
    }) : () -> ()
    %dma_start3A_19 = arith.constant 1 : i32
    %dma_start3A_20 = arith.constant 1 : i32
    %dma_start3A_21 = arith.constant 0 : i32
    %dma_start3A_22 = arith.constant 0 : i32
    %dma_start3A_23 = tpu.memref_slice %arg6[%dma_start3A_20, %dma_start3A_21, %dma_start3A_22] : memref<4x128x128xf32, #tpu.memory_space<vmem>> -> memref<1x128x128xf32, #tpu.memory_space<vmem>>
    %dma_start3A_24 = tpu.memref_squeeze %dma_start3A_23 : memref<1x128x128xf32, #tpu.memory_space<vmem>> -> memref<128x128xf32, #tpu.memory_space<vmem>>
    %dma_start3A_25 = arith.constant 0 : i32
    %dma_start3A_26 = tpu.memref_slice %arg5[%dma_start3A_19, %dma_start3A_25] : memref<4x128xi32, #tpu.memory_space<vmem>> -> memref<1x128xi32, #tpu.memory_space<vmem>>
    %dma_start3A_27 = tpu.memref_squeeze %dma_start3A_26 : memref<1x128xi32, #tpu.memory_space<vmem>> -> memref<128xi32, #tpu.memory_space<vmem>>
    %dma_start3A_28 = arith.constant 0 : i32
    %dma_start3A_29 = arith.constant 0 : i32
    %dma_start3A_30 = tpu.memref_slice %arg3[%dma_start3A_28, %dma_start3A_29] : memref<1002x128xf32, #tpu.memory_space<hbm>> -> memref<1002x128xf32, #tpu.memory_space<hbm>>
    tpu.enqueue_indirect_dma source(%dma_start3A_30 : memref<1002x128xf32, #tpu.memory_space<hbm>>) target(%dma_start3A_24 : memref<128x128xf32, #tpu.memory_space<vmem>>) offsets(%dma_start3A_27 : memref<128xi32, #tpu.memory_space<vmem>>) semaphore(%arg8 : memref<!tpu.dma_semaphore, #tpu.memory_space<semaphore_mem>>)
    %add3A_31 = arith.constant 256 : i32
    %add3A_32 = arith.addi %mul3A_2, %add3A_31 : i32
    %run_scoped3A_33 = arith.constant 2 : i32
    "tpu.region"() ({
      %run_scoped3A_125 = tpu.sem_alloc : memref<!tpu.dma_semaphore, #tpu.memory_space<semaphore_mem>>
      %dma_start3A_126 = arith.constant 0 : i32
      %dma_start3A_127 = tpu.memref_slice %arg5[%run_scoped3A_33, %dma_start3A_126] : memref<4x128xi32, #tpu.memory_space<vmem>> -> memref<1x128xi32, #tpu.memory_space<vmem>>
      %dma_start3A_128 = tpu.memref_squeeze %dma_start3A_127 : memref<1x128xi32, #tpu.memory_space<vmem>> -> memref<128xi32, #tpu.memory_space<vmem>>
      %dma_start3A_129 = tpu.memref_slice %arg2[%add3A_32] : memref<819200xi32, #tpu.memory_space<hbm>> -> memref<128xi32, #tpu.memory_space<hbm>>
      %dma_start3A_130 = arith.constant 0 : i32
      %dma_start3A_131 = tpu.memref_slice %arg5[%run_scoped3A_33, %dma_start3A_130] : memref<4x128xi32, #tpu.memory_space<vmem>> -> memref<1x128xi32, #tpu.memory_space<vmem>>
      %dma_start3A_132 = tpu.memref_squeeze %dma_start3A_131 : memref<1x128xi32, #tpu.memory_space<vmem>> -> memref<128xi32, #tpu.memory_space<vmem>>
      %dma_start3A_133 = tpu.memref_slice %arg2[%add3A_32] : memref<819200xi32, #tpu.memory_space<hbm>> -> memref<128xi32, #tpu.memory_space<hbm>>
      tpu.enqueue_dma source(%dma_start3A_133 : memref<128xi32, #tpu.memory_space<hbm>>) target(%dma_start3A_132 : memref<128xi32, #tpu.memory_space<vmem>>) target_semaphore(%run_scoped3A_125 : memref<!tpu.dma_semaphore, #tpu.memory_space<semaphore_mem>>)
      %dma_wait3A_134 = arith.constant 0 : i32
      %dma_wait3A_135 = tpu.memref_slice %arg5[%run_scoped3A_33, %dma_wait3A_134] : memref<4x128xi32, #tpu.memory_space<vmem>> -> memref<1x128xi32, #tpu.memory_space<vmem>>
      %dma_wait3A_136 = tpu.memref_squeeze %dma_wait3A_135 : memref<1x128xi32, #tpu.memory_space<vmem>> -> memref<128xi32, #tpu.memory_space<vmem>>
      %dma_wait3A_137 = tpu.memref_slice %arg2[%add3A_32] : memref<819200xi32, #tpu.memory_space<hbm>> -> memref<128xi32, #tpu.memory_space<hbm>>
      %dma_wait3A_138 = arith.constant 0 : i32
      %dma_wait3A_139 = tpu.memref_slice %arg5[%run_scoped3A_33, %dma_wait3A_138] : memref<4x128xi32, #tpu.memory_space<vmem>> -> memref<1x128xi32, #tpu.memory_space<vmem>>
      %dma_wait3A_140 = tpu.memref_squeeze %dma_wait3A_139 : memref<1x128xi32, #tpu.memory_space<vmem>> -> memref<128xi32, #tpu.memory_space<vmem>>
      %dma_wait3A_141 = tpu.memref_slice %arg2[%add3A_32] : memref<819200xi32, #tpu.memory_space<hbm>> -> memref<128xi32, #tpu.memory_space<hbm>>
      tpu.wait_dma2 semaphore(%run_scoped3A_125 : memref<!tpu.dma_semaphore, #tpu.memory_space<semaphore_mem>>) src(%dma_wait3A_141 : memref<128xi32, #tpu.memory_space<hbm>>) dst(%dma_wait3A_140 : memref<128xi32, #tpu.memory_space<vmem>>)
      tpu.yield
    }) : () -> ()
    %dma_start3A_34 = arith.constant 2 : i32
    %dma_start3A_35 = arith.constant 2 : i32
    %dma_start3A_36 = arith.constant 0 : i32
    %dma_start3A_37 = arith.constant 0 : i32
    %dma_start3A_38 = tpu.memref_slice %arg6[%dma_start3A_35, %dma_start3A_36, %dma_start3A_37] : memref<4x128x128xf32, #tpu.memory_space<vmem>> -> memref<1x128x128xf32, #tpu.memory_space<vmem>>
    %dma_start3A_39 = tpu.memref_squeeze %dma_start3A_38 : memref<1x128x128xf32, #tpu.memory_space<vmem>> -> memref<128x128xf32, #tpu.memory_space<vmem>>
    %dma_start3A_40 = arith.constant 0 : i32
    %dma_start3A_41 = tpu.memref_slice %arg5[%dma_start3A_34, %dma_start3A_40] : memref<4x128xi32, #tpu.memory_space<vmem>> -> memref<1x128xi32, #tpu.memory_space<vmem>>
    %dma_start3A_42 = tpu.memref_squeeze %dma_start3A_41 : memref<1x128xi32, #tpu.memory_space<vmem>> -> memref<128xi32, #tpu.memory_space<vmem>>
    %dma_start3A_43 = arith.constant 0 : i32
    %dma_start3A_44 = arith.constant 0 : i32
    %dma_start3A_45 = tpu.memref_slice %arg3[%dma_start3A_43, %dma_start3A_44] : memref<1002x128xf32, #tpu.memory_space<hbm>> -> memref<1002x128xf32, #tpu.memory_space<hbm>>
    tpu.enqueue_indirect_dma source(%dma_start3A_45 : memref<1002x128xf32, #tpu.memory_space<hbm>>) target(%dma_start3A_39 : memref<128x128xf32, #tpu.memory_space<vmem>>) offsets(%dma_start3A_42 : memref<128xi32, #tpu.memory_space<vmem>>) semaphore(%arg9 : memref<!tpu.dma_semaphore, #tpu.memory_space<semaphore_mem>>)
    %add3A_46 = arith.constant 384 : i32
    %add3A_47 = arith.addi %mul3A_2, %add3A_46 : i32
    %run_scoped3A_48 = arith.constant 3 : i32
    "tpu.region"() ({
      %run_scoped3A_125 = tpu.sem_alloc : memref<!tpu.dma_semaphore, #tpu.memory_space<semaphore_mem>>
      %dma_start3A_126 = arith.constant 0 : i32
      %dma_start3A_127 = tpu.memref_slice %arg5[%run_scoped3A_48, %dma_start3A_126] : memref<4x128xi32, #tpu.memory_space<vmem>> -> memref<1x128xi32, #tpu.memory_space<vmem>>
      %dma_start3A_128 = tpu.memref_squeeze %dma_start3A_127 : memref<1x128xi32, #tpu.memory_space<vmem>> -> memref<128xi32, #tpu.memory_space<vmem>>
      %dma_start3A_129 = tpu.memref_slice %arg2[%add3A_47] : memref<819200xi32, #tpu.memory_space<hbm>> -> memref<128xi32, #tpu.memory_space<hbm>>
      %dma_start3A_130 = arith.constant 0 : i32
      %dma_start3A_131 = tpu.memref_slice %arg5[%run_scoped3A_48, %dma_start3A_130] : memref<4x128xi32, #tpu.memory_space<vmem>> -> memref<1x128xi32, #tpu.memory_space<vmem>>
      %dma_start3A_132 = tpu.memref_squeeze %dma_start3A_131 : memref<1x128xi32, #tpu.memory_space<vmem>> -> memref<128xi32, #tpu.memory_space<vmem>>
      %dma_start3A_133 = tpu.memref_slice %arg2[%add3A_47] : memref<819200xi32, #tpu.memory_space<hbm>> -> memref<128xi32, #tpu.memory_space<hbm>>
      tpu.enqueue_dma source(%dma_start3A_133 : memref<128xi32, #tpu.memory_space<hbm>>) target(%dma_start3A_132 : memref<128xi32, #tpu.memory_space<vmem>>) target_semaphore(%run_scoped3A_125 : memref<!tpu.dma_semaphore, #tpu.memory_space<semaphore_mem>>)
      %dma_wait3A_134 = arith.constant 0 : i32
      %dma_wait3A_135 = tpu.memref_slice %arg5[%run_scoped3A_48, %dma_wait3A_134] : memref<4x128xi32, #tpu.memory_space<vmem>> -> memref<1x128xi32, #tpu.memory_space<vmem>>
      %dma_wait3A_136 = tpu.memref_squeeze %dma_wait3A_135 : memref<1x128xi32, #tpu.memory_space<vmem>> -> memref<128xi32, #tpu.memory_space<vmem>>
      %dma_wait3A_137 = tpu.memref_slice %arg2[%add3A_47] : memref<819200xi32, #tpu.memory_space<hbm>> -> memref<128xi32, #tpu.memory_space<hbm>>
      %dma_wait3A_138 = arith.constant 0 : i32
      %dma_wait3A_139 = tpu.memref_slice %arg5[%run_scoped3A_48, %dma_wait3A_138] : memref<4x128xi32, #tpu.memory_space<vmem>> -> memref<1x128xi32, #tpu.memory_space<vmem>>
      %dma_wait3A_140 = tpu.memref_squeeze %dma_wait3A_139 : memref<1x128xi32, #tpu.memory_space<vmem>> -> memref<128xi32, #tpu.memory_space<vmem>>
      %dma_wait3A_141 = tpu.memref_slice %arg2[%add3A_47] : memref<819200xi32, #tpu.memory_space<hbm>> -> memref<128xi32, #tpu.memory_space<hbm>>
      tpu.wait_dma2 semaphore(%run_scoped3A_125 : memref<!tpu.dma_semaphore, #tpu.memory_space<semaphore_mem>>) src(%dma_wait3A_141 : memref<128xi32, #tpu.memory_space<hbm>>) dst(%dma_wait3A_140 : memref<128xi32, #tpu.memory_space<vmem>>)
      tpu.yield
    }) : () -> ()
    %dma_start3A_49 = arith.constant 3 : i32
    %dma_start3A_50 = arith.constant 3 : i32
    %dma_start3A_51 = arith.constant 0 : i32
    %dma_start3A_52 = arith.constant 0 : i32
    %dma_start3A_53 = tpu.memref_slice %arg6[%dma_start3A_50, %dma_start3A_51, %dma_start3A_52] : memref<4x128x128xf32, #tpu.memory_space<vmem>> -> memref<1x128x128xf32, #tpu.memory_space<vmem>>
    %dma_start3A_54 = tpu.memref_squeeze %dma_start3A_53 : memref<1x128x128xf32, #tpu.memory_space<vmem>> -> memref<128x128xf32, #tpu.memory_space<vmem>>
    %dma_start3A_55 = arith.constant 0 : i32
    %dma_start3A_56 = tpu.memref_slice %arg5[%dma_start3A_49, %dma_start3A_55] : memref<4x128xi32, #tpu.memory_space<vmem>> -> memref<1x128xi32, #tpu.memory_space<vmem>>
    %dma_start3A_57 = tpu.memref_squeeze %dma_start3A_56 : memref<1x128xi32, #tpu.memory_space<vmem>> -> memref<128xi32, #tpu.memory_space<vmem>>
    %dma_start3A_58 = arith.constant 0 : i32
    %dma_start3A_59 = arith.constant 0 : i32
    %dma_start3A_60 = tpu.memref_slice %arg3[%dma_start3A_58, %dma_start3A_59] : memref<1002x128xf32, #tpu.memory_space<hbm>> -> memref<1002x128xf32, #tpu.memory_space<hbm>>
    tpu.enqueue_indirect_dma source(%dma_start3A_60 : memref<1002x128xf32, #tpu.memory_space<hbm>>) target(%dma_start3A_54 : memref<128x128xf32, #tpu.memory_space<vmem>>) offsets(%dma_start3A_57 : memref<128xi32, #tpu.memory_space<vmem>>) semaphore(%arg10 : memref<!tpu.dma_semaphore, #tpu.memory_space<semaphore_mem>>)
    %scan3A = arith.constant 0 : i32
    %scan3A_61 = arith.constant 0 : i32
    %scan3A_62 = arith.constant 50 : i32
    %scan3A_63 = arith.addi %scan3A_61, %scan3A_62 : i32
    %scan3A_64 = arith.constant 1 : i32
    scf.for %scan3A_125 = %scan3A_61 to %scan3A_63 step %scan3A_64  : i32 {
      %mul3A_126 = arith.constant 4 : i32
      %mul3A_127 = arith.muli %scan3A_125, %mul3A_126 : i32
      %add3A_128 = arith.constant 0 : i32
      %add3A_129 = arith.addi %mul3A_127, %add3A_128 : i32
      %dma_wait3A_130 = arith.constant 0 : i32
      %dma_wait3A_131 = arith.constant 0 : i32
      %dma_wait3A_132 = arith.constant 0 : i32
      %dma_wait3A_133 = arith.constant 0 : i32
      %dma_wait3A_134 = tpu.memref_slice %arg6[%dma_wait3A_131, %dma_wait3A_132, %dma_wait3A_133] : memref<4x128x128xf32, #tpu.memory_space<vmem>> -> memref<1x128x128xf32, #tpu.memory_space<vmem>>
      %dma_wait3A_135 = tpu.memref_squeeze %dma_wait3A_134 : memref<1x128x128xf32, #tpu.memory_space<vmem>> -> memref<128x128xf32, #tpu.memory_space<vmem>>
      %dma_wait3A_136 = arith.constant 0 : i32
      %dma_wait3A_137 = tpu.memref_slice %arg5[%dma_wait3A_130, %dma_wait3A_136] : memref<4x128xi32, #tpu.memory_space<vmem>> -> memref<1x128xi32, #tpu.memory_space<vmem>>
      %dma_wait3A_138 = tpu.memref_squeeze %dma_wait3A_137 : memref<1x128xi32, #tpu.memory_space<vmem>> -> memref<128xi32, #tpu.memory_space<vmem>>
      %dma_wait3A_139 = arith.constant 0 : i32
      %dma_wait3A_140 = arith.constant 0 : i32
      %dma_wait3A_141 = tpu.memref_slice %arg3[%dma_wait3A_139, %dma_wait3A_140] : memref<1002x128xf32, #tpu.memory_space<hbm>> -> memref<1002x128xf32, #tpu.memory_space<hbm>>
      tpu.wait_indirect_dma semaphore(%arg7 : memref<!tpu.dma_semaphore, #tpu.memory_space<semaphore_mem>>) src(%dma_wait3A_141 : memref<1002x128xf32, #tpu.memory_space<hbm>>) dst(%dma_wait3A_135 : memref<128x128xf32, #tpu.memory_space<vmem>>)
      %mul3A_142 = arith.constant 128 : i32
      %mul3A_143 = arith.muli %add3A_129, %mul3A_142 : i32
      %add3A_144 = arith.addi %mul3A_2, %mul3A_143 : i32
      %dma_start3A_145 = arith.constant 0 : i32
      %dma_start3A_146 = arith.constant 0 : i32
      %dma_start3A_147 = arith.constant 0 : i32
      %dma_start3A_148 = tpu.memref_slice %arg6[%dma_start3A_145, %dma_start3A_146, %dma_start3A_147] : memref<4x128x128xf32, #tpu.memory_space<vmem>> -> memref<1x128x128xf32, #tpu.memory_space<vmem>>
      %dma_start3A_149 = tpu.memref_squeeze %dma_start3A_148 : memref<1x128x128xf32, #tpu.memory_space<vmem>> -> memref<128x128xf32, #tpu.memory_space<vmem>>
      %dma_start3A_150 = arith.constant 0 : i32
      %dma_start3A_151 = tpu.memref_slice %arg4[%add3A_144, %dma_start3A_150] : memref<819200x128xf32, #tpu.memory_space<hbm>> -> memref<128x128xf32, #tpu.memory_space<hbm>>
      %dma_start3A_152 = arith.constant 0 : i32
      %dma_start3A_153 = tpu.memref_slice %arg4[%add3A_144, %dma_start3A_152] : memref<819200x128xf32, #tpu.memory_space<hbm>> -> memref<128x128xf32, #tpu.memory_space<hbm>>
      %dma_start3A_154 = arith.constant 0 : i32
      %dma_start3A_155 = arith.constant 0 : i32
      %dma_start3A_156 = tpu.memref_slice %arg6[%dma_start3A_145, %dma_start3A_154, %dma_start3A_155] : memref<4x128x128xf32, #tpu.memory_space<vmem>> -> memref<1x128x128xf32, #tpu.memory_space<vmem>>
      %dma_start3A_157 = tpu.memref_squeeze %dma_start3A_156 : memref<1x128x128xf32, #tpu.memory_space<vmem>> -> memref<128x128xf32, #tpu.memory_space<vmem>>
      tpu.enqueue_dma source(%dma_start3A_157 : memref<128x128xf32, #tpu.memory_space<vmem>>) target(%dma_start3A_153 : memref<128x128xf32, #tpu.memory_space<hbm>>) target_semaphore(%arg11 : memref<!tpu.dma_semaphore, #tpu.memory_space<semaphore_mem>>)
      %mul3A_158 = arith.constant 4 : i32
      %mul3A_159 = arith.muli %scan3A_125, %mul3A_158 : i32
      %add3A_160 = arith.constant 1 : i32
      %add3A_161 = arith.addi %mul3A_159, %add3A_160 : i32
      %dma_wait3A_162 = arith.constant 1 : i32
      %dma_wait3A_163 = arith.constant 1 : i32
      %dma_wait3A_164 = arith.constant 0 : i32
      %dma_wait3A_165 = arith.constant 0 : i32
      %dma_wait3A_166 = tpu.memref_slice %arg6[%dma_wait3A_163, %dma_wait3A_164, %dma_wait3A_165] : memref<4x128x128xf32, #tpu.memory_space<vmem>> -> memref<1x128x128xf32, #tpu.memory_space<vmem>>
      %dma_wait3A_167 = tpu.memref_squeeze %dma_wait3A_166 : memref<1x128x128xf32, #tpu.memory_space<vmem>> -> memref<128x128xf32, #tpu.memory_space<vmem>>
      %dma_wait3A_168 = arith.constant 0 : i32
      %dma_wait3A_169 = tpu.memref_slice %arg5[%dma_wait3A_162, %dma_wait3A_168] : memref<4x128xi32, #tpu.memory_space<vmem>> -> memref<1x128xi32, #tpu.memory_space<vmem>>
      %dma_wait3A_170 = tpu.memref_squeeze %dma_wait3A_169 : memref<1x128xi32, #tpu.memory_space<vmem>> -> memref<128xi32, #tpu.memory_space<vmem>>
      %dma_wait3A_171 = arith.constant 0 : i32
      %dma_wait3A_172 = arith.constant 0 : i32
      %dma_wait3A_173 = tpu.memref_slice %arg3[%dma_wait3A_171, %dma_wait3A_172] : memref<1002x128xf32, #tpu.memory_space<hbm>> -> memref<1002x128xf32, #tpu.memory_space<hbm>>
      tpu.wait_indirect_dma semaphore(%arg8 : memref<!tpu.dma_semaphore, #tpu.memory_space<semaphore_mem>>) src(%dma_wait3A_173 : memref<1002x128xf32, #tpu.memory_space<hbm>>) dst(%dma_wait3A_167 : memref<128x128xf32, #tpu.memory_space<vmem>>)
      %mul3A_174 = arith.constant 128 : i32
      %mul3A_175 = arith.muli %add3A_161, %mul3A_174 : i32
      %add3A_176 = arith.addi %mul3A_2, %mul3A_175 : i32
      %dma_start3A_177 = arith.constant 1 : i32
      %dma_start3A_178 = arith.constant 0 : i32
      %dma_start3A_179 = arith.constant 0 : i32
      %dma_start3A_180 = tpu.memref_slice %arg6[%dma_start3A_177, %dma_start3A_178, %dma_start3A_179] : memref<4x128x128xf32, #tpu.memory_space<vmem>> -> memref<1x128x128xf32, #tpu.memory_space<vmem>>
      %dma_start3A_181 = tpu.memref_squeeze %dma_start3A_180 : memref<1x128x128xf32, #tpu.memory_space<vmem>> -> memref<128x128xf32, #tpu.memory_space<vmem>>
      %dma_start3A_182 = arith.constant 0 : i32
      %dma_start3A_183 = tpu.memref_slice %arg4[%add3A_176, %dma_start3A_182] : memref<819200x128xf32, #tpu.memory_space<hbm>> -> memref<128x128xf32, #tpu.memory_space<hbm>>
      %dma_start3A_184 = arith.constant 0 : i32
      %dma_start3A_185 = tpu.memref_slice %arg4[%add3A_176, %dma_start3A_184] : memref<819200x128xf32, #tpu.memory_space<hbm>> -> memref<128x128xf32, #tpu.memory_space<hbm>>
      %dma_start3A_186 = arith.constant 0 : i32
      %dma_start3A_187 = arith.constant 0 : i32
      %dma_start3A_188 = tpu.memref_slice %arg6[%dma_start3A_177, %dma_start3A_186, %dma_start3A_187] : memref<4x128x128xf32, #tpu.memory_space<vmem>> -> memref<1x128x128xf32, #tpu.memory_space<vmem>>
      %dma_start3A_189 = tpu.memref_squeeze %dma_start3A_188 : memref<1x128x128xf32, #tpu.memory_space<vmem>> -> memref<128x128xf32, #tpu.memory_space<vmem>>
      tpu.enqueue_dma source(%dma_start3A_189 : memref<128x128xf32, #tpu.memory_space<vmem>>) target(%dma_start3A_185 : memref<128x128xf32, #tpu.memory_space<hbm>>) target_semaphore(%arg12 : memref<!tpu.dma_semaphore, #tpu.memory_space<semaphore_mem>>)
      %mul3A_190 = arith.constant 4 : i32
      %mul3A_191 = arith.muli %scan3A_125, %mul3A_190 : i32
      %add3A_192 = arith.constant 2 : i32
      %add3A_193 = arith.addi %mul3A_191, %add3A_192 : i32
      %dma_wait3A_194 = arith.constant 2 : i32
      %dma_wait3A_195 = arith.constant 2 : i32
      %dma_wait3A_196 = arith.constant 0 : i32
      %dma_wait3A_197 = arith.constant 0 : i32
      %dma_wait3A_198 = tpu.memref_slice %arg6[%dma_wait3A_195, %dma_wait3A_196, %dma_wait3A_197] : memref<4x128x128xf32, #tpu.memory_space<vmem>> -> memref<1x128x128xf32, #tpu.memory_space<vmem>>
      %dma_wait3A_199 = tpu.memref_squeeze %dma_wait3A_198 : memref<1x128x128xf32, #tpu.memory_space<vmem>> -> memref<128x128xf32, #tpu.memory_space<vmem>>
      %dma_wait3A_200 = arith.constant 0 : i32
      %dma_wait3A_201 = tpu.memref_slice %arg5[%dma_wait3A_194, %dma_wait3A_200] : memref<4x128xi32, #tpu.memory_space<vmem>> -> memref<1x128xi32, #tpu.memory_space<vmem>>
      %dma_wait3A_202 = tpu.memref_squeeze %dma_wait3A_201 : memref<1x128xi32, #tpu.memory_space<vmem>> -> memref<128xi32, #tpu.memory_space<vmem>>
      %dma_wait3A_203 = arith.constant 0 : i32
      %dma_wait3A_204 = arith.constant 0 : i32
      %dma_wait3A_205 = tpu.memref_slice %arg3[%dma_wait3A_203, %dma_wait3A_204] : memref<1002x128xf32, #tpu.memory_space<hbm>> -> memref<1002x128xf32, #tpu.memory_space<hbm>>
      tpu.wait_indirect_dma semaphore(%arg9 : memref<!tpu.dma_semaphore, #tpu.memory_space<semaphore_mem>>) src(%dma_wait3A_205 : memref<1002x128xf32, #tpu.memory_space<hbm>>) dst(%dma_wait3A_199 : memref<128x128xf32, #tpu.memory_space<vmem>>)
      %mul3A_206 = arith.constant 128 : i32
      %mul3A_207 = arith.muli %add3A_193, %mul3A_206 : i32
      %add3A_208 = arith.addi %mul3A_2, %mul3A_207 : i32
      %dma_start3A_209 = arith.constant 2 : i32
      %dma_start3A_210 = arith.constant 0 : i32
      %dma_start3A_211 = arith.constant 0 : i32
      %dma_start3A_212 = tpu.memref_slice %arg6[%dma_start3A_209, %dma_start3A_210, %dma_start3A_211] : memref<4x128x128xf32, #tpu.memory_space<vmem>> -> memref<1x128x128xf32, #tpu.memory_space<vmem>>
      %dma_start3A_213 = tpu.memref_squeeze %dma_start3A_212 : memref<1x128x128xf32, #tpu.memory_space<vmem>> -> memref<128x128xf32, #tpu.memory_space<vmem>>
      %dma_start3A_214 = arith.constant 0 : i32
      %dma_start3A_215 = tpu.memref_slice %arg4[%add3A_208, %dma_start3A_214] : memref<819200x128xf32, #tpu.memory_space<hbm>> -> memref<128x128xf32, #tpu.memory_space<hbm>>
      %dma_start3A_216 = arith.constant 0 : i32
      %dma_start3A_217 = tpu.memref_slice %arg4[%add3A_208, %dma_start3A_216] : memref<819200x128xf32, #tpu.memory_space<hbm>> -> memref<128x128xf32, #tpu.memory_space<hbm>>
      %dma_start3A_218 = arith.constant 0 : i32
      %dma_start3A_219 = arith.constant 0 : i32
      %dma_start3A_220 = tpu.memref_slice %arg6[%dma_start3A_209, %dma_start3A_218, %dma_start3A_219] : memref<4x128x128xf32, #tpu.memory_space<vmem>> -> memref<1x128x128xf32, #tpu.memory_space<vmem>>
      %dma_start3A_221 = tpu.memref_squeeze %dma_start3A_220 : memref<1x128x128xf32, #tpu.memory_space<vmem>> -> memref<128x128xf32, #tpu.memory_space<vmem>>
      tpu.enqueue_dma source(%dma_start3A_221 : memref<128x128xf32, #tpu.memory_space<vmem>>) target(%dma_start3A_217 : memref<128x128xf32, #tpu.memory_space<hbm>>) target_semaphore(%arg13 : memref<!tpu.dma_semaphore, #tpu.memory_space<semaphore_mem>>)
      %mul3A_222 = arith.constant 4 : i32
      %mul3A_223 = arith.muli %scan3A_125, %mul3A_222 : i32
      %add3A_224 = arith.constant 3 : i32
      %add3A_225 = arith.addi %mul3A_223, %add3A_224 : i32
      %dma_wait3A_226 = arith.constant 3 : i32
      %dma_wait3A_227 = arith.constant 3 : i32
      %dma_wait3A_228 = arith.constant 0 : i32
      %dma_wait3A_229 = arith.constant 0 : i32
      %dma_wait3A_230 = tpu.memref_slice %arg6[%dma_wait3A_227, %dma_wait3A_228, %dma_wait3A_229] : memref<4x128x128xf32, #tpu.memory_space<vmem>> -> memref<1x128x128xf32, #tpu.memory_space<vmem>>
      %dma_wait3A_231 = tpu.memref_squeeze %dma_wait3A_230 : memref<1x128x128xf32, #tpu.memory_space<vmem>> -> memref<128x128xf32, #tpu.memory_space<vmem>>
      %dma_wait3A_232 = arith.constant 0 : i32
      %dma_wait3A_233 = tpu.memref_slice %arg5[%dma_wait3A_226, %dma_wait3A_232] : memref<4x128xi32, #tpu.memory_space<vmem>> -> memref<1x128xi32, #tpu.memory_space<vmem>>
      %dma_wait3A_234 = tpu.memref_squeeze %dma_wait3A_233 : memref<1x128xi32, #tpu.memory_space<vmem>> -> memref<128xi32, #tpu.memory_space<vmem>>
      %dma_wait3A_235 = arith.constant 0 : i32
      %dma_wait3A_236 = arith.constant 0 : i32
      %dma_wait3A_237 = tpu.memref_slice %arg3[%dma_wait3A_235, %dma_wait3A_236] : memref<1002x128xf32, #tpu.memory_space<hbm>> -> memref<1002x128xf32, #tpu.memory_space<hbm>>
      tpu.wait_indirect_dma semaphore(%arg10 : memref<!tpu.dma_semaphore, #tpu.memory_space<semaphore_mem>>) src(%dma_wait3A_237 : memref<1002x128xf32, #tpu.memory_space<hbm>>) dst(%dma_wait3A_231 : memref<128x128xf32, #tpu.memory_space<vmem>>)
      %mul3A_238 = arith.constant 128 : i32
      %mul3A_239 = arith.muli %add3A_225, %mul3A_238 : i32
      %add3A_240 = arith.addi %mul3A_2, %mul3A_239 : i32
      %dma_start3A_241 = arith.constant 3 : i32
      %dma_start3A_242 = arith.constant 0 : i32
      %dma_start3A_243 = arith.constant 0 : i32
      %dma_start3A_244 = tpu.memref_slice %arg6[%dma_start3A_241, %dma_start3A_242, %dma_start3A_243] : memref<4x128x128xf32, #tpu.memory_space<vmem>> -> memref<1x128x128xf32, #tpu.memory_space<vmem>>
      %dma_start3A_245 = tpu.memref_squeeze %dma_start3A_244 : memref<1x128x128xf32, #tpu.memory_space<vmem>> -> memref<128x128xf32, #tpu.memory_space<vmem>>
      %dma_start3A_246 = arith.constant 0 : i32
      %dma_start3A_247 = tpu.memref_slice %arg4[%add3A_240, %dma_start3A_246] : memref<819200x128xf32, #tpu.memory_space<hbm>> -> memref<128x128xf32, #tpu.memory_space<hbm>>
      %dma_start3A_248 = arith.constant 0 : i32
      %dma_start3A_249 = tpu.memref_slice %arg4[%add3A_240, %dma_start3A_248] : memref<819200x128xf32, #tpu.memory_space<hbm>> -> memref<128x128xf32, #tpu.memory_space<hbm>>
      %dma_start3A_250 = arith.constant 0 : i32
      %dma_start3A_251 = arith.constant 0 : i32
      %dma_start3A_252 = tpu.memref_slice %arg6[%dma_start3A_241, %dma_start3A_250, %dma_start3A_251] : memref<4x128x128xf32, #tpu.memory_space<vmem>> -> memref<1x128x128xf32, #tpu.memory_space<vmem>>
      %dma_start3A_253 = tpu.memref_squeeze %dma_start3A_252 : memref<1x128x128xf32, #tpu.memory_space<vmem>> -> memref<128x128xf32, #tpu.memory_space<vmem>>
      tpu.enqueue_dma source(%dma_start3A_253 : memref<128x128xf32, #tpu.memory_space<vmem>>) target(%dma_start3A_249 : memref<128x128xf32, #tpu.memory_space<hbm>>) target_semaphore(%arg14 : memref<!tpu.dma_semaphore, #tpu.memory_space<semaphore_mem>>)
      %mul3A_254 = arith.constant 4 : i32
      %mul3A_255 = arith.muli %scan3A_125, %mul3A_254 : i32
      %add3A_256 = arith.constant 0 : i32
      %add3A_257 = arith.addi %mul3A_255, %add3A_256 : i32
      %add3A_258 = arith.constant 1 : i32
      %add3A_259 = arith.addi %scan3A_125, %add3A_258 : i32
      %lt3A = arith.constant 50 : i32
      %lt3A_260 = arith.cmpi slt, %add3A_259, %lt3A : i32
      %convert_element_type3A = arith.extui %lt3A_260 : i1 to i32
      %cond3A = arith.constant 0 : i32
      %cond3A_261 = arith.cmpi ne, %convert_element_type3A, %cond3A : i32
      scf.if %cond3A_261 {
        %mul3A_295 = arith.constant 128 : i32
        %mul3A_296 = arith.muli %add3A_257, %mul3A_295 : i32
        %add3A_297 = arith.addi %mul3A_2, %mul3A_296 : i32
        %dma_wait3A_298 = arith.constant 0 : i32
        %dma_wait3A_299 = arith.constant 0 : i32
        %dma_wait3A_300 = arith.constant 0 : i32
        %dma_wait3A_301 = tpu.memref_slice %arg6[%dma_wait3A_298, %dma_wait3A_299, %dma_wait3A_300] : memref<4x128x128xf32, #tpu.memory_space<vmem>> -> memref<1x128x128xf32, #tpu.memory_space<vmem>>
        %dma_wait3A_302 = tpu.memref_squeeze %dma_wait3A_301 : memref<1x128x128xf32, #tpu.memory_space<vmem>> -> memref<128x128xf32, #tpu.memory_space<vmem>>
        %dma_wait3A_303 = arith.constant 0 : i32
        %dma_wait3A_304 = tpu.memref_slice %arg4[%add3A_297, %dma_wait3A_303] : memref<819200x128xf32, #tpu.memory_space<hbm>> -> memref<128x128xf32, #tpu.memory_space<hbm>>
        %dma_wait3A_305 = arith.constant 0 : i32
        %dma_wait3A_306 = tpu.memref_slice %arg4[%add3A_297, %dma_wait3A_305] : memref<819200x128xf32, #tpu.memory_space<hbm>> -> memref<128x128xf32, #tpu.memory_space<hbm>>
        %dma_wait3A_307 = arith.constant 0 : i32
        %dma_wait3A_308 = arith.constant 0 : i32
        %dma_wait3A_309 = tpu.memref_slice %arg6[%dma_wait3A_298, %dma_wait3A_307, %dma_wait3A_308] : memref<4x128x128xf32, #tpu.memory_space<vmem>> -> memref<1x128x128xf32, #tpu.memory_space<vmem>>
        %dma_wait3A_310 = tpu.memref_squeeze %dma_wait3A_309 : memref<1x128x128xf32, #tpu.memory_space<vmem>> -> memref<128x128xf32, #tpu.memory_space<vmem>>
        tpu.wait_dma2 semaphore(%arg11 : memref<!tpu.dma_semaphore, #tpu.memory_space<semaphore_mem>>) src(%dma_wait3A_310 : memref<128x128xf32, #tpu.memory_space<vmem>>) dst(%dma_wait3A_306 : memref<128x128xf32, #tpu.memory_space<hbm>>)
        %add3A_311 = arith.constant 4 : i32
        %add3A_312 = arith.addi %add3A_257, %add3A_311 : i32
        %mul3A_313 = arith.constant 128 : i32
        %mul3A_314 = arith.muli %add3A_312, %mul3A_313 : i32
        %add3A_315 = arith.addi %mul3A_2, %mul3A_314 : i32
        %run_scoped3A_316 = arith.constant 0 : i32
        "tpu.region"() ({
          %run_scoped3A_329 = tpu.sem_alloc : memref<!tpu.dma_semaphore, #tpu.memory_space<semaphore_mem>>
          %dma_start3A_330 = arith.constant 0 : i32
          %dma_start3A_331 = tpu.memref_slice %arg5[%run_scoped3A_316, %dma_start3A_330] : memref<4x128xi32, #tpu.memory_space<vmem>> -> memref<1x128xi32, #tpu.memory_space<vmem>>
          %dma_start3A_332 = tpu.memref_squeeze %dma_start3A_331 : memref<1x128xi32, #tpu.memory_space<vmem>> -> memref<128xi32, #tpu.memory_space<vmem>>
          %dma_start3A_333 = tpu.memref_slice %arg2[%add3A_315] : memref<819200xi32, #tpu.memory_space<hbm>> -> memref<128xi32, #tpu.memory_space<hbm>>
          %dma_start3A_334 = arith.constant 0 : i32
          %dma_start3A_335 = tpu.memref_slice %arg5[%run_scoped3A_316, %dma_start3A_334] : memref<4x128xi32, #tpu.memory_space<vmem>> -> memref<1x128xi32, #tpu.memory_space<vmem>>
          %dma_start3A_336 = tpu.memref_squeeze %dma_start3A_335 : memref<1x128xi32, #tpu.memory_space<vmem>> -> memref<128xi32, #tpu.memory_space<vmem>>
          %dma_start3A_337 = tpu.memref_slice %arg2[%add3A_315] : memref<819200xi32, #tpu.memory_space<hbm>> -> memref<128xi32, #tpu.memory_space<hbm>>
          tpu.enqueue_dma source(%dma_start3A_337 : memref<128xi32, #tpu.memory_space<hbm>>) target(%dma_start3A_336 : memref<128xi32, #tpu.memory_space<vmem>>) target_semaphore(%run_scoped3A_329 : memref<!tpu.dma_semaphore, #tpu.memory_space<semaphore_mem>>)
          %dma_wait3A_338 = arith.constant 0 : i32
          %dma_wait3A_339 = tpu.memref_slice %arg5[%run_scoped3A_316, %dma_wait3A_338] : memref<4x128xi32, #tpu.memory_space<vmem>> -> memref<1x128xi32, #tpu.memory_space<vmem>>
          %dma_wait3A_340 = tpu.memref_squeeze %dma_wait3A_339 : memref<1x128xi32, #tpu.memory_space<vmem>> -> memref<128xi32, #tpu.memory_space<vmem>>
          %dma_wait3A_341 = tpu.memref_slice %arg2[%add3A_315] : memref<819200xi32, #tpu.memory_space<hbm>> -> memref<128xi32, #tpu.memory_space<hbm>>
          %dma_wait3A_342 = arith.constant 0 : i32
          %dma_wait3A_343 = tpu.memref_slice %arg5[%run_scoped3A_316, %dma_wait3A_342] : memref<4x128xi32, #tpu.memory_space<vmem>> -> memref<1x128xi32, #tpu.memory_space<vmem>>
          %dma_wait3A_344 = tpu.memref_squeeze %dma_wait3A_343 : memref<1x128xi32, #tpu.memory_space<vmem>> -> memref<128xi32, #tpu.memory_space<vmem>>
          %dma_wait3A_345 = tpu.memref_slice %arg2[%add3A_315] : memref<819200xi32, #tpu.memory_space<hbm>> -> memref<128xi32, #tpu.memory_space<hbm>>
          tpu.wait_dma2 semaphore(%run_scoped3A_329 : memref<!tpu.dma_semaphore, #tpu.memory_space<semaphore_mem>>) src(%dma_wait3A_345 : memref<128xi32, #tpu.memory_space<hbm>>) dst(%dma_wait3A_344 : memref<128xi32, #tpu.memory_space<vmem>>)
          tpu.yield
        }) : () -> ()
        %dma_start3A_317 = arith.constant 0 : i32
        %dma_start3A_318 = arith.constant 0 : i32
        %dma_start3A_319 = arith.constant 0 : i32
        %dma_start3A_320 = arith.constant 0 : i32
        %dma_start3A_321 = tpu.memref_slice %arg6[%dma_start3A_318, %dma_start3A_319, %dma_start3A_320] : memref<4x128x128xf32, #tpu.memory_space<vmem>> -> memref<1x128x128xf32, #tpu.memory_space<vmem>>
        %dma_start3A_322 = tpu.memref_squeeze %dma_start3A_321 : memref<1x128x128xf32, #tpu.memory_space<vmem>> -> memref<128x128xf32, #tpu.memory_space<vmem>>
        %dma_start3A_323 = arith.constant 0 : i32
        %dma_start3A_324 = tpu.memref_slice %arg5[%dma_start3A_317, %dma_start3A_323] : memref<4x128xi32, #tpu.memory_space<vmem>> -> memref<1x128xi32, #tpu.memory_space<vmem>>
        %dma_start3A_325 = tpu.memref_squeeze %dma_start3A_324 : memref<1x128xi32, #tpu.memory_space<vmem>> -> memref<128xi32, #tpu.memory_space<vmem>>
        %dma_start3A_326 = arith.constant 0 : i32
        %dma_start3A_327 = arith.constant 0 : i32
        %dma_start3A_328 = tpu.memref_slice %arg3[%dma_start3A_326, %dma_start3A_327] : memref<1002x128xf32, #tpu.memory_space<hbm>> -> memref<1002x128xf32, #tpu.memory_space<hbm>>
        tpu.enqueue_indirect_dma source(%dma_start3A_328 : memref<1002x128xf32, #tpu.memory_space<hbm>>) target(%dma_start3A_322 : memref<128x128xf32, #tpu.memory_space<vmem>>) offsets(%dma_start3A_325 : memref<128xi32, #tpu.memory_space<vmem>>) semaphore(%arg7 : memref<!tpu.dma_semaphore, #tpu.memory_space<semaphore_mem>>)
      } else {
      }
      %mul3A_262 = arith.constant 4 : i32
      %mul3A_263 = arith.muli %scan3A_125, %mul3A_262 : i32
      %add3A_264 = arith.constant 1 : i32
      %add3A_265 = arith.addi %mul3A_263, %add3A_264 : i32
      %add3A_266 = arith.constant 1 : i32
      %add3A_267 = arith.addi %scan3A_125, %add3A_266 : i32
      %lt3A_268 = arith.constant 50 : i32
      %lt3A_269 = arith.cmpi slt, %add3A_267, %lt3A_268 : i32
      %convert_element_type3A_270 = arith.extui %lt3A_269 : i1 to i32
      %cond3A_271 = arith.constant 0 : i32
      %cond3A_272 = arith.cmpi ne, %convert_element_type3A_270, %cond3A_271 : i32
      scf.if %cond3A_272 {
        %mul3A_295 = arith.constant 128 : i32
        %mul3A_296 = arith.muli %add3A_265, %mul3A_295 : i32
        %add3A_297 = arith.addi %mul3A_2, %mul3A_296 : i32
        %dma_wait3A_298 = arith.constant 1 : i32
        %dma_wait3A_299 = arith.constant 0 : i32
        %dma_wait3A_300 = arith.constant 0 : i32
        %dma_wait3A_301 = tpu.memref_slice %arg6[%dma_wait3A_298, %dma_wait3A_299, %dma_wait3A_300] : memref<4x128x128xf32, #tpu.memory_space<vmem>> -> memref<1x128x128xf32, #tpu.memory_space<vmem>>
        %dma_wait3A_302 = tpu.memref_squeeze %dma_wait3A_301 : memref<1x128x128xf32, #tpu.memory_space<vmem>> -> memref<128x128xf32, #tpu.memory_space<vmem>>
        %dma_wait3A_303 = arith.constant 0 : i32
        %dma_wait3A_304 = tpu.memref_slice %arg4[%add3A_297, %dma_wait3A_303] : memref<819200x128xf32, #tpu.memory_space<hbm>> -> memref<128x128xf32, #tpu.memory_space<hbm>>
        %dma_wait3A_305 = arith.constant 0 : i32
        %dma_wait3A_306 = tpu.memref_slice %arg4[%add3A_297, %dma_wait3A_305] : memref<819200x128xf32, #tpu.memory_space<hbm>> -> memref<128x128xf32, #tpu.memory_space<hbm>>
        %dma_wait3A_307 = arith.constant 0 : i32
        %dma_wait3A_308 = arith.constant 0 : i32
        %dma_wait3A_309 = tpu.memref_slice %arg6[%dma_wait3A_298, %dma_wait3A_307, %dma_wait3A_308] : memref<4x128x128xf32, #tpu.memory_space<vmem>> -> memref<1x128x128xf32, #tpu.memory_space<vmem>>
        %dma_wait3A_310 = tpu.memref_squeeze %dma_wait3A_309 : memref<1x128x128xf32, #tpu.memory_space<vmem>> -> memref<128x128xf32, #tpu.memory_space<vmem>>
        tpu.wait_dma2 semaphore(%arg12 : memref<!tpu.dma_semaphore, #tpu.memory_space<semaphore_mem>>) src(%dma_wait3A_310 : memref<128x128xf32, #tpu.memory_space<vmem>>) dst(%dma_wait3A_306 : memref<128x128xf32, #tpu.memory_space<hbm>>)
        %add3A_311 = arith.constant 4 : i32
        %add3A_312 = arith.addi %add3A_265, %add3A_311 : i32
        %mul3A_313 = arith.constant 128 : i32
        %mul3A_314 = arith.muli %add3A_312, %mul3A_313 : i32
        %add3A_315 = arith.addi %mul3A_2, %mul3A_314 : i32
        %run_scoped3A_316 = arith.constant 1 : i32
        "tpu.region"() ({
          %run_scoped3A_329 = tpu.sem_alloc : memref<!tpu.dma_semaphore, #tpu.memory_space<semaphore_mem>>
          %dma_start3A_330 = arith.constant 0 : i32
          %dma_start3A_331 = tpu.memref_slice %arg5[%run_scoped3A_316, %dma_start3A_330] : memref<4x128xi32, #tpu.memory_space<vmem>> -> memref<1x128xi32, #tpu.memory_space<vmem>>
          %dma_start3A_332 = tpu.memref_squeeze %dma_start3A_331 : memref<1x128xi32, #tpu.memory_space<vmem>> -> memref<128xi32, #tpu.memory_space<vmem>>
          %dma_start3A_333 = tpu.memref_slice %arg2[%add3A_315] : memref<819200xi32, #tpu.memory_space<hbm>> -> memref<128xi32, #tpu.memory_space<hbm>>
          %dma_start3A_334 = arith.constant 0 : i32
          %dma_start3A_335 = tpu.memref_slice %arg5[%run_scoped3A_316, %dma_start3A_334] : memref<4x128xi32, #tpu.memory_space<vmem>> -> memref<1x128xi32, #tpu.memory_space<vmem>>
          %dma_start3A_336 = tpu.memref_squeeze %dma_start3A_335 : memref<1x128xi32, #tpu.memory_space<vmem>> -> memref<128xi32, #tpu.memory_space<vmem>>
          %dma_start3A_337 = tpu.memref_slice %arg2[%add3A_315] : memref<819200xi32, #tpu.memory_space<hbm>> -> memref<128xi32, #tpu.memory_space<hbm>>
          tpu.enqueue_dma source(%dma_start3A_337 : memref<128xi32, #tpu.memory_space<hbm>>) target(%dma_start3A_336 : memref<128xi32, #tpu.memory_space<vmem>>) target_semaphore(%run_scoped3A_329 : memref<!tpu.dma_semaphore, #tpu.memory_space<semaphore_mem>>)
          %dma_wait3A_338 = arith.constant 0 : i32
          %dma_wait3A_339 = tpu.memref_slice %arg5[%run_scoped3A_316, %dma_wait3A_338] : memref<4x128xi32, #tpu.memory_space<vmem>> -> memref<1x128xi32, #tpu.memory_space<vmem>>
          %dma_wait3A_340 = tpu.memref_squeeze %dma_wait3A_339 : memref<1x128xi32, #tpu.memory_space<vmem>> -> memref<128xi32, #tpu.memory_space<vmem>>
          %dma_wait3A_341 = tpu.memref_slice %arg2[%add3A_315] : memref<819200xi32, #tpu.memory_space<hbm>> -> memref<128xi32, #tpu.memory_space<hbm>>
          %dma_wait3A_342 = arith.constant 0 : i32
          %dma_wait3A_343 = tpu.memref_slice %arg5[%run_scoped3A_316, %dma_wait3A_342] : memref<4x128xi32, #tpu.memory_space<vmem>> -> memref<1x128xi32, #tpu.memory_space<vmem>>
          %dma_wait3A_344 = tpu.memref_squeeze %dma_wait3A_343 : memref<1x128xi32, #tpu.memory_space<vmem>> -> memref<128xi32, #tpu.memory_space<vmem>>
          %dma_wait3A_345 = tpu.memref_slice %arg2[%add3A_315] : memref<819200xi32, #tpu.memory_space<hbm>> -> memref<128xi32, #tpu.memory_space<hbm>>
          tpu.wait_dma2 semaphore(%run_scoped3A_329 : memref<!tpu.dma_semaphore, #tpu.memory_space<semaphore_mem>>) src(%dma_wait3A_345 : memref<128xi32, #tpu.memory_space<hbm>>) dst(%dma_wait3A_344 : memref<128xi32, #tpu.memory_space<vmem>>)
          tpu.yield
        }) : () -> ()
        %dma_start3A_317 = arith.constant 1 : i32
        %dma_start3A_318 = arith.constant 1 : i32
        %dma_start3A_319 = arith.constant 0 : i32
        %dma_start3A_320 = arith.constant 0 : i32
        %dma_start3A_321 = tpu.memref_slice %arg6[%dma_start3A_318, %dma_start3A_319, %dma_start3A_320] : memref<4x128x128xf32, #tpu.memory_space<vmem>> -> memref<1x128x128xf32, #tpu.memory_space<vmem>>
        %dma_start3A_322 = tpu.memref_squeeze %dma_start3A_321 : memref<1x128x128xf32, #tpu.memory_space<vmem>> -> memref<128x128xf32, #tpu.memory_space<vmem>>
        %dma_start3A_323 = arith.constant 0 : i32
        %dma_start3A_324 = tpu.memref_slice %arg5[%dma_start3A_317, %dma_start3A_323] : memref<4x128xi32, #tpu.memory_space<vmem>> -> memref<1x128xi32, #tpu.memory_space<vmem>>
        %dma_start3A_325 = tpu.memref_squeeze %dma_start3A_324 : memref<1x128xi32, #tpu.memory_space<vmem>> -> memref<128xi32, #tpu.memory_space<vmem>>
        %dma_start3A_326 = arith.constant 0 : i32
        %dma_start3A_327 = arith.constant 0 : i32
        %dma_start3A_328 = tpu.memref_slice %arg3[%dma_start3A_326, %dma_start3A_327] : memref<1002x128xf32, #tpu.memory_space<hbm>> -> memref<1002x128xf32, #tpu.memory_space<hbm>>
        tpu.enqueue_indirect_dma source(%dma_start3A_328 : memref<1002x128xf32, #tpu.memory_space<hbm>>) target(%dma_start3A_322 : memref<128x128xf32, #tpu.memory_space<vmem>>) offsets(%dma_start3A_325 : memref<128xi32, #tpu.memory_space<vmem>>) semaphore(%arg8 : memref<!tpu.dma_semaphore, #tpu.memory_space<semaphore_mem>>)
      } else {
      }
      %mul3A_273 = arith.constant 4 : i32
      %mul3A_274 = arith.muli %scan3A_125, %mul3A_273 : i32
      %add3A_275 = arith.constant 2 : i32
      %add3A_276 = arith.addi %mul3A_274, %add3A_275 : i32
      %add3A_277 = arith.constant 1 : i32
      %add3A_278 = arith.addi %scan3A_125, %add3A_277 : i32
      %lt3A_279 = arith.constant 50 : i32
      %lt3A_280 = arith.cmpi slt, %add3A_278, %lt3A_279 : i32
      %convert_element_type3A_281 = arith.extui %lt3A_280 : i1 to i32
      %cond3A_282 = arith.constant 0 : i32
      %cond3A_283 = arith.cmpi ne, %convert_element_type3A_281, %cond3A_282 : i32
      scf.if %cond3A_283 {
        %mul3A_295 = arith.constant 128 : i32
        %mul3A_296 = arith.muli %add3A_276, %mul3A_295 : i32
        %add3A_297 = arith.addi %mul3A_2, %mul3A_296 : i32
        %dma_wait3A_298 = arith.constant 2 : i32
        %dma_wait3A_299 = arith.constant 0 : i32
        %dma_wait3A_300 = arith.constant 0 : i32
        %dma_wait3A_301 = tpu.memref_slice %arg6[%dma_wait3A_298, %dma_wait3A_299, %dma_wait3A_300] : memref<4x128x128xf32, #tpu.memory_space<vmem>> -> memref<1x128x128xf32, #tpu.memory_space<vmem>>
        %dma_wait3A_302 = tpu.memref_squeeze %dma_wait3A_301 : memref<1x128x128xf32, #tpu.memory_space<vmem>> -> memref<128x128xf32, #tpu.memory_space<vmem>>
        %dma_wait3A_303 = arith.constant 0 : i32
        %dma_wait3A_304 = tpu.memref_slice %arg4[%add3A_297, %dma_wait3A_303] : memref<819200x128xf32, #tpu.memory_space<hbm>> -> memref<128x128xf32, #tpu.memory_space<hbm>>
        %dma_wait3A_305 = arith.constant 0 : i32
        %dma_wait3A_306 = tpu.memref_slice %arg4[%add3A_297, %dma_wait3A_305] : memref<819200x128xf32, #tpu.memory_space<hbm>> -> memref<128x128xf32, #tpu.memory_space<hbm>>
        %dma_wait3A_307 = arith.constant 0 : i32
        %dma_wait3A_308 = arith.constant 0 : i32
        %dma_wait3A_309 = tpu.memref_slice %arg6[%dma_wait3A_298, %dma_wait3A_307, %dma_wait3A_308] : memref<4x128x128xf32, #tpu.memory_space<vmem>> -> memref<1x128x128xf32, #tpu.memory_space<vmem>>
        %dma_wait3A_310 = tpu.memref_squeeze %dma_wait3A_309 : memref<1x128x128xf32, #tpu.memory_space<vmem>> -> memref<128x128xf32, #tpu.memory_space<vmem>>
        tpu.wait_dma2 semaphore(%arg13 : memref<!tpu.dma_semaphore, #tpu.memory_space<semaphore_mem>>) src(%dma_wait3A_310 : memref<128x128xf32, #tpu.memory_space<vmem>>) dst(%dma_wait3A_306 : memref<128x128xf32, #tpu.memory_space<hbm>>)
        %add3A_311 = arith.constant 4 : i32
        %add3A_312 = arith.addi %add3A_276, %add3A_311 : i32
        %mul3A_313 = arith.constant 128 : i32
        %mul3A_314 = arith.muli %add3A_312, %mul3A_313 : i32
        %add3A_315 = arith.addi %mul3A_2, %mul3A_314 : i32
        %run_scoped3A_316 = arith.constant 2 : i32
        "tpu.region"() ({
          %run_scoped3A_329 = tpu.sem_alloc : memref<!tpu.dma_semaphore, #tpu.memory_space<semaphore_mem>>
          %dma_start3A_330 = arith.constant 0 : i32
          %dma_start3A_331 = tpu.memref_slice %arg5[%run_scoped3A_316, %dma_start3A_330] : memref<4x128xi32, #tpu.memory_space<vmem>> -> memref<1x128xi32, #tpu.memory_space<vmem>>
          %dma_start3A_332 = tpu.memref_squeeze %dma_start3A_331 : memref<1x128xi32, #tpu.memory_space<vmem>> -> memref<128xi32, #tpu.memory_space<vmem>>
          %dma_start3A_333 = tpu.memref_slice %arg2[%add3A_315] : memref<819200xi32, #tpu.memory_space<hbm>> -> memref<128xi32, #tpu.memory_space<hbm>>
          %dma_start3A_334 = arith.constant 0 : i32
          %dma_start3A_335 = tpu.memref_slice %arg5[%run_scoped3A_316, %dma_start3A_334] : memref<4x128xi32, #tpu.memory_space<vmem>> -> memref<1x128xi32, #tpu.memory_space<vmem>>
          %dma_start3A_336 = tpu.memref_squeeze %dma_start3A_335 : memref<1x128xi32, #tpu.memory_space<vmem>> -> memref<128xi32, #tpu.memory_space<vmem>>
          %dma_start3A_337 = tpu.memref_slice %arg2[%add3A_315] : memref<819200xi32, #tpu.memory_space<hbm>> -> memref<128xi32, #tpu.memory_space<hbm>>
          tpu.enqueue_dma source(%dma_start3A_337 : memref<128xi32, #tpu.memory_space<hbm>>) target(%dma_start3A_336 : memref<128xi32, #tpu.memory_space<vmem>>) target_semaphore(%run_scoped3A_329 : memref<!tpu.dma_semaphore, #tpu.memory_space<semaphore_mem>>)
          %dma_wait3A_338 = arith.constant 0 : i32
          %dma_wait3A_339 = tpu.memref_slice %arg5[%run_scoped3A_316, %dma_wait3A_338] : memref<4x128xi32, #tpu.memory_space<vmem>> -> memref<1x128xi32, #tpu.memory_space<vmem>>
          %dma_wait3A_340 = tpu.memref_squeeze %dma_wait3A_339 : memref<1x128xi32, #tpu.memory_space<vmem>> -> memref<128xi32, #tpu.memory_space<vmem>>
          %dma_wait3A_341 = tpu.memref_slice %arg2[%add3A_315] : memref<819200xi32, #tpu.memory_space<hbm>> -> memref<128xi32, #tpu.memory_space<hbm>>
          %dma_wait3A_342 = arith.constant 0 : i32
          %dma_wait3A_343 = tpu.memref_slice %arg5[%run_scoped3A_316, %dma_wait3A_342] : memref<4x128xi32, #tpu.memory_space<vmem>> -> memref<1x128xi32, #tpu.memory_space<vmem>>
          %dma_wait3A_344 = tpu.memref_squeeze %dma_wait3A_343 : memref<1x128xi32, #tpu.memory_space<vmem>> -> memref<128xi32, #tpu.memory_space<vmem>>
          %dma_wait3A_345 = tpu.memref_slice %arg2[%add3A_315] : memref<819200xi32, #tpu.memory_space<hbm>> -> memref<128xi32, #tpu.memory_space<hbm>>
          tpu.wait_dma2 semaphore(%run_scoped3A_329 : memref<!tpu.dma_semaphore, #tpu.memory_space<semaphore_mem>>) src(%dma_wait3A_345 : memref<128xi32, #tpu.memory_space<hbm>>) dst(%dma_wait3A_344 : memref<128xi32, #tpu.memory_space<vmem>>)
          tpu.yield
        }) : () -> ()
        %dma_start3A_317 = arith.constant 2 : i32
        %dma_start3A_318 = arith.constant 2 : i32
        %dma_start3A_319 = arith.constant 0 : i32
        %dma_start3A_320 = arith.constant 0 : i32
        %dma_start3A_321 = tpu.memref_slice %arg6[%dma_start3A_318, %dma_start3A_319, %dma_start3A_320] : memref<4x128x128xf32, #tpu.memory_space<vmem>> -> memref<1x128x128xf32, #tpu.memory_space<vmem>>
        %dma_start3A_322 = tpu.memref_squeeze %dma_start3A_321 : memref<1x128x128xf32, #tpu.memory_space<vmem>> -> memref<128x128xf32, #tpu.memory_space<vmem>>
        %dma_start3A_323 = arith.constant 0 : i32
        %dma_start3A_324 = tpu.memref_slice %arg5[%dma_start3A_317, %dma_start3A_323] : memref<4x128xi32, #tpu.memory_space<vmem>> -> memref<1x128xi32, #tpu.memory_space<vmem>>
        %dma_start3A_325 = tpu.memref_squeeze %dma_start3A_324 : memref<1x128xi32, #tpu.memory_space<vmem>> -> memref<128xi32, #tpu.memory_space<vmem>>
        %dma_start3A_326 = arith.constant 0 : i32
        %dma_start3A_327 = arith.constant 0 : i32
        %dma_start3A_328 = tpu.memref_slice %arg3[%dma_start3A_326, %dma_start3A_327] : memref<1002x128xf32, #tpu.memory_space<hbm>> -> memref<1002x128xf32, #tpu.memory_space<hbm>>
        tpu.enqueue_indirect_dma source(%dma_start3A_328 : memref<1002x128xf32, #tpu.memory_space<hbm>>) target(%dma_start3A_322 : memref<128x128xf32, #tpu.memory_space<vmem>>) offsets(%dma_start3A_325 : memref<128xi32, #tpu.memory_space<vmem>>) semaphore(%arg9 : memref<!tpu.dma_semaphore, #tpu.memory_space<semaphore_mem>>)
      } else {
      }
      %mul3A_284 = arith.constant 4 : i32
      %mul3A_285 = arith.muli %scan3A_125, %mul3A_284 : i32
      %add3A_286 = arith.constant 3 : i32
      %add3A_287 = arith.addi %mul3A_285, %add3A_286 : i32
      %add3A_288 = arith.constant 1 : i32
      %add3A_289 = arith.addi %scan3A_125, %add3A_288 : i32
      %lt3A_290 = arith.constant 50 : i32
      %lt3A_291 = arith.cmpi slt, %add3A_289, %lt3A_290 : i32
      %convert_element_type3A_292 = arith.extui %lt3A_291 : i1 to i32
      %cond3A_293 = arith.constant 0 : i32
      %cond3A_294 = arith.cmpi ne, %convert_element_type3A_292, %cond3A_293 : i32
      scf.if %cond3A_294 {
        %mul3A_295 = arith.constant 128 : i32
        %mul3A_296 = arith.muli %add3A_287, %mul3A_295 : i32
        %add3A_297 = arith.addi %mul3A_2, %mul3A_296 : i32
        %dma_wait3A_298 = arith.constant 3 : i32
        %dma_wait3A_299 = arith.constant 0 : i32
        %dma_wait3A_300 = arith.constant 0 : i32
        %dma_wait3A_301 = tpu.memref_slice %arg6[%dma_wait3A_298, %dma_wait3A_299, %dma_wait3A_300] : memref<4x128x128xf32, #tpu.memory_space<vmem>> -> memref<1x128x128xf32, #tpu.memory_space<vmem>>
        %dma_wait3A_302 = tpu.memref_squeeze %dma_wait3A_301 : memref<1x128x128xf32, #tpu.memory_space<vmem>> -> memref<128x128xf32, #tpu.memory_space<vmem>>
        %dma_wait3A_303 = arith.constant 0 : i32
        %dma_wait3A_304 = tpu.memref_slice %arg4[%add3A_297, %dma_wait3A_303] : memref<819200x128xf32, #tpu.memory_space<hbm>> -> memref<128x128xf32, #tpu.memory_space<hbm>>
        %dma_wait3A_305 = arith.constant 0 : i32
        %dma_wait3A_306 = tpu.memref_slice %arg4[%add3A_297, %dma_wait3A_305] : memref<819200x128xf32, #tpu.memory_space<hbm>> -> memref<128x128xf32, #tpu.memory_space<hbm>>
        %dma_wait3A_307 = arith.constant 0 : i32
        %dma_wait3A_308 = arith.constant 0 : i32
        %dma_wait3A_309 = tpu.memref_slice %arg6[%dma_wait3A_298, %dma_wait3A_307, %dma_wait3A_308] : memref<4x128x128xf32, #tpu.memory_space<vmem>> -> memref<1x128x128xf32, #tpu.memory_space<vmem>>
        %dma_wait3A_310 = tpu.memref_squeeze %dma_wait3A_309 : memref<1x128x128xf32, #tpu.memory_space<vmem>> -> memref<128x128xf32, #tpu.memory_space<vmem>>
        tpu.wait_dma2 semaphore(%arg14 : memref<!tpu.dma_semaphore, #tpu.memory_space<semaphore_mem>>) src(%dma_wait3A_310 : memref<128x128xf32, #tpu.memory_space<vmem>>) dst(%dma_wait3A_306 : memref<128x128xf32, #tpu.memory_space<hbm>>)
        %add3A_311 = arith.constant 4 : i32
        %add3A_312 = arith.addi %add3A_287, %add3A_311 : i32
        %mul3A_313 = arith.constant 128 : i32
        %mul3A_314 = arith.muli %add3A_312, %mul3A_313 : i32
        %add3A_315 = arith.addi %mul3A_2, %mul3A_314 : i32
        %run_scoped3A_316 = arith.constant 3 : i32
        "tpu.region"() ({
          %run_scoped3A_329 = tpu.sem_alloc : memref<!tpu.dma_semaphore, #tpu.memory_space<semaphore_mem>>
          %dma_start3A_330 = arith.constant 0 : i32
          %dma_start3A_331 = tpu.memref_slice %arg5[%run_scoped3A_316, %dma_start3A_330] : memref<4x128xi32, #tpu.memory_space<vmem>> -> memref<1x128xi32, #tpu.memory_space<vmem>>
          %dma_start3A_332 = tpu.memref_squeeze %dma_start3A_331 : memref<1x128xi32, #tpu.memory_space<vmem>> -> memref<128xi32, #tpu.memory_space<vmem>>
          %dma_start3A_333 = tpu.memref_slice %arg2[%add3A_315] : memref<819200xi32, #tpu.memory_space<hbm>> -> memref<128xi32, #tpu.memory_space<hbm>>
          %dma_start3A_334 = arith.constant 0 : i32
          %dma_start3A_335 = tpu.memref_slice %arg5[%run_scoped3A_316, %dma_start3A_334] : memref<4x128xi32, #tpu.memory_space<vmem>> -> memref<1x128xi32, #tpu.memory_space<vmem>>
          %dma_start3A_336 = tpu.memref_squeeze %dma_start3A_335 : memref<1x128xi32, #tpu.memory_space<vmem>> -> memref<128xi32, #tpu.memory_space<vmem>>
          %dma_start3A_337 = tpu.memref_slice %arg2[%add3A_315] : memref<819200xi32, #tpu.memory_space<hbm>> -> memref<128xi32, #tpu.memory_space<hbm>>
          tpu.enqueue_dma source(%dma_start3A_337 : memref<128xi32, #tpu.memory_space<hbm>>) target(%dma_start3A_336 : memref<128xi32, #tpu.memory_space<vmem>>) target_semaphore(%run_scoped3A_329 : memref<!tpu.dma_semaphore, #tpu.memory_space<semaphore_mem>>)
          %dma_wait3A_338 = arith.constant 0 : i32
          %dma_wait3A_339 = tpu.memref_slice %arg5[%run_scoped3A_316, %dma_wait3A_338] : memref<4x128xi32, #tpu.memory_space<vmem>> -> memref<1x128xi32, #tpu.memory_space<vmem>>
          %dma_wait3A_340 = tpu.memref_squeeze %dma_wait3A_339 : memref<1x128xi32, #tpu.memory_space<vmem>> -> memref<128xi32, #tpu.memory_space<vmem>>
          %dma_wait3A_341 = tpu.memref_slice %arg2[%add3A_315] : memref<819200xi32, #tpu.memory_space<hbm>> -> memref<128xi32, #tpu.memory_space<hbm>>
          %dma_wait3A_342 = arith.constant 0 : i32
          %dma_wait3A_343 = tpu.memref_slice %arg5[%run_scoped3A_316, %dma_wait3A_342] : memref<4x128xi32, #tpu.memory_space<vmem>> -> memref<1x128xi32, #tpu.memory_space<vmem>>
          %dma_wait3A_344 = tpu.memref_squeeze %dma_wait3A_343 : memref<1x128xi32, #tpu.memory_space<vmem>> -> memref<128xi32, #tpu.memory_space<vmem>>
          %dma_wait3A_345 = tpu.memref_slice %arg2[%add3A_315] : memref<819200xi32, #tpu.memory_space<hbm>> -> memref<128xi32, #tpu.memory_space<hbm>>
          tpu.wait_dma2 semaphore(%run_scoped3A_329 : memref<!tpu.dma_semaphore, #tpu.memory_space<semaphore_mem>>) src(%dma_wait3A_345 : memref<128xi32, #tpu.memory_space<hbm>>) dst(%dma_wait3A_344 : memref<128xi32, #tpu.memory_space<vmem>>)
          tpu.yield
        }) : () -> ()
        %dma_start3A_317 = arith.constant 3 : i32
        %dma_start3A_318 = arith.constant 3 : i32
        %dma_start3A_319 = arith.constant 0 : i32
        %dma_start3A_320 = arith.constant 0 : i32
        %dma_start3A_321 = tpu.memref_slice %arg6[%dma_start3A_318, %dma_start3A_319, %dma_start3A_320] : memref<4x128x128xf32, #tpu.memory_space<vmem>> -> memref<1x128x128xf32, #tpu.memory_space<vmem>>
        %dma_start3A_322 = tpu.memref_squeeze %dma_start3A_321 : memref<1x128x128xf32, #tpu.memory_space<vmem>> -> memref<128x128xf32, #tpu.memory_space<vmem>>
        %dma_start3A_323 = arith.constant 0 : i32
        %dma_start3A_324 = tpu.memref_slice %arg5[%dma_start3A_317, %dma_start3A_323] : memref<4x128xi32, #tpu.memory_space<vmem>> -> memref<1x128xi32, #tpu.memory_space<vmem>>
        %dma_start3A_325 = tpu.memref_squeeze %dma_start3A_324 : memref<1x128xi32, #tpu.memory_space<vmem>> -> memref<128xi32, #tpu.memory_space<vmem>>
        %dma_start3A_326 = arith.constant 0 : i32
        %dma_start3A_327 = arith.constant 0 : i32
        %dma_start3A_328 = tpu.memref_slice %arg3[%dma_start3A_326, %dma_start3A_327] : memref<1002x128xf32, #tpu.memory_space<hbm>> -> memref<1002x128xf32, #tpu.memory_space<hbm>>
        tpu.enqueue_indirect_dma source(%dma_start3A_328 : memref<1002x128xf32, #tpu.memory_space<hbm>>) target(%dma_start3A_322 : memref<128x128xf32, #tpu.memory_space<vmem>>) offsets(%dma_start3A_325 : memref<128xi32, #tpu.memory_space<vmem>>) semaphore(%arg10 : memref<!tpu.dma_semaphore, #tpu.memory_space<semaphore_mem>>)
      } else {
      }
    }
    %scan3A_65 = arith.constant 50 : i32
    %add3A_66 = arith.constant 25088 : i32
    %add3A_67 = arith.addi %mul3A_2, %add3A_66 : i32
    %dma_wait3A = arith.constant 0 : i32
    %dma_wait3A_68 = arith.constant 0 : i32
    %dma_wait3A_69 = arith.constant 0 : i32
    %dma_wait3A_70 = tpu.memref_slice %arg6[%dma_wait3A, %dma_wait3A_68, %dma_wait3A_69] : memref<4x128x128xf32, #tpu.memory_space<vmem>> -> memref<1x128x128xf32, #tpu.memory_space<vmem>>
    %dma_wait3A_71 = tpu.memref_squeeze %dma_wait3A_70 : memref<1x128x128xf32, #tpu.memory_space<vmem>> -> memref<128x128xf32, #tpu.memory_space<vmem>>
    %dma_wait3A_72 = arith.constant 0 : i32
    %dma_wait3A_73 = tpu.memref_slice %arg4[%add3A_67, %dma_wait3A_72] : memref<819200x128xf32, #tpu.memory_space<hbm>> -> memref<128x128xf32, #tpu.memory_space<hbm>>
    %dma_wait3A_74 = arith.constant 0 : i32
    %dma_wait3A_75 = tpu.memref_slice %arg4[%add3A_67, %dma_wait3A_74] : memref<819200x128xf32, #tpu.memory_space<hbm>> -> memref<128x128xf32, #tpu.memory_space<hbm>>
    %dma_wait3A_76 = arith.constant 0 : i32
    %dma_wait3A_77 = arith.constant 0 : i32
    %dma_wait3A_78 = tpu.memref_slice %arg6[%dma_wait3A, %dma_wait3A_76, %dma_wait3A_77] : memref<4x128x128xf32, #tpu.memory_space<vmem>> -> memref<1x128x128xf32, #tpu.memory_space<vmem>>
    %dma_wait3A_79 = tpu.memref_squeeze %dma_wait3A_78 : memref<1x128x128xf32, #tpu.memory_space<vmem>> -> memref<128x128xf32, #tpu.memory_space<vmem>>
    tpu.wait_dma2 semaphore(%arg11 : memref<!tpu.dma_semaphore, #tpu.memory_space<semaphore_mem>>) src(%dma_wait3A_79 : memref<128x128xf32, #tpu.memory_space<vmem>>) dst(%dma_wait3A_75 : memref<128x128xf32, #tpu.memory_space<hbm>>)
    %add3A_80 = arith.constant 25216 : i32
    %add3A_81 = arith.addi %mul3A_2, %add3A_80 : i32
    %dma_wait3A_82 = arith.constant 1 : i32
    %dma_wait3A_83 = arith.constant 0 : i32
    %dma_wait3A_84 = arith.constant 0 : i32
    %dma_wait3A_85 = tpu.memref_slice %arg6[%dma_wait3A_82, %dma_wait3A_83, %dma_wait3A_84] : memref<4x128x128xf32, #tpu.memory_space<vmem>> -> memref<1x128x128xf32, #tpu.memory_space<vmem>>
    %dma_wait3A_86 = tpu.memref_squeeze %dma_wait3A_85 : memref<1x128x128xf32, #tpu.memory_space<vmem>> -> memref<128x128xf32, #tpu.memory_space<vmem>>
    %dma_wait3A_87 = arith.constant 0 : i32
    %dma_wait3A_88 = tpu.memref_slice %arg4[%add3A_81, %dma_wait3A_87] : memref<819200x128xf32, #tpu.memory_space<hbm>> -> memref<128x128xf32, #tpu.memory_space<hbm>>
    %dma_wait3A_89 = arith.constant 0 : i32
    %dma_wait3A_90 = tpu.memref_slice %arg4[%add3A_81, %dma_wait3A_89] : memref<819200x128xf32, #tpu.memory_space<hbm>> -> memref<128x128xf32, #tpu.memory_space<hbm>>
    %dma_wait3A_91 = arith.constant 0 : i32
    %dma_wait3A_92 = arith.constant 0 : i32
    %dma_wait3A_93 = tpu.memref_slice %arg6[%dma_wait3A_82, %dma_wait3A_91, %dma_wait3A_92] : memref<4x128x128xf32, #tpu.memory_space<vmem>> -> memref<1x128x128xf32, #tpu.memory_space<vmem>>
    %dma_wait3A_94 = tpu.memref_squeeze %dma_wait3A_93 : memref<1x128x128xf32, #tpu.memory_space<vmem>> -> memref<128x128xf32, #tpu.memory_space<vmem>>
    tpu.wait_dma2 semaphore(%arg12 : memref<!tpu.dma_semaphore, #tpu.memory_space<semaphore_mem>>) src(%dma_wait3A_94 : memref<128x128xf32, #tpu.memory_space<vmem>>) dst(%dma_wait3A_90 : memref<128x128xf32, #tpu.memory_space<hbm>>)
    %add3A_95 = arith.constant 25344 : i32
    %add3A_96 = arith.addi %mul3A_2, %add3A_95 : i32
    %dma_wait3A_97 = arith.constant 2 : i32
    %dma_wait3A_98 = arith.constant 0 : i32
    %dma_wait3A_99 = arith.constant 0 : i32
    %dma_wait3A_100 = tpu.memref_slice %arg6[%dma_wait3A_97, %dma_wait3A_98, %dma_wait3A_99] : memref<4x128x128xf32, #tpu.memory_space<vmem>> -> memref<1x128x128xf32, #tpu.memory_space<vmem>>
    %dma_wait3A_101 = tpu.memref_squeeze %dma_wait3A_100 : memref<1x128x128xf32, #tpu.memory_space<vmem>> -> memref<128x128xf32, #tpu.memory_space<vmem>>
    %dma_wait3A_102 = arith.constant 0 : i32
    %dma_wait3A_103 = tpu.memref_slice %arg4[%add3A_96, %dma_wait3A_102] : memref<819200x128xf32, #tpu.memory_space<hbm>> -> memref<128x128xf32, #tpu.memory_space<hbm>>
    %dma_wait3A_104 = arith.constant 0 : i32
    %dma_wait3A_105 = tpu.memref_slice %arg4[%add3A_96, %dma_wait3A_104] : memref<819200x128xf32, #tpu.memory_space<hbm>> -> memref<128x128xf32, #tpu.memory_space<hbm>>
    %dma_wait3A_106 = arith.constant 0 : i32
    %dma_wait3A_107 = arith.constant 0 : i32
    %dma_wait3A_108 = tpu.memref_slice %arg6[%dma_wait3A_97, %dma_wait3A_106, %dma_wait3A_107] : memref<4x128x128xf32, #tpu.memory_space<vmem>> -> memref<1x128x128xf32, #tpu.memory_space<vmem>>
    %dma_wait3A_109 = tpu.memref_squeeze %dma_wait3A_108 : memref<1x128x128xf32, #tpu.memory_space<vmem>> -> memref<128x128xf32, #tpu.memory_space<vmem>>
    tpu.wait_dma2 semaphore(%arg13 : memref<!tpu.dma_semaphore, #tpu.memory_space<semaphore_mem>>) src(%dma_wait3A_109 : memref<128x128xf32, #tpu.memory_space<vmem>>) dst(%dma_wait3A_105 : memref<128x128xf32, #tpu.memory_space<hbm>>)
    %add3A_110 = arith.constant 25472 : i32
    %add3A_111 = arith.addi %mul3A_2, %add3A_110 : i32
    %dma_wait3A_112 = arith.constant 3 : i32
    %dma_wait3A_113 = arith.constant 0 : i32
    %dma_wait3A_114 = arith.constant 0 : i32
    %dma_wait3A_115 = tpu.memref_slice %arg6[%dma_wait3A_112, %dma_wait3A_113, %dma_wait3A_114] : memref<4x128x128xf32, #tpu.memory_space<vmem>> -> memref<1x128x128xf32, #tpu.memory_space<vmem>>
    %dma_wait3A_116 = tpu.memref_squeeze %dma_wait3A_115 : memref<1x128x128xf32, #tpu.memory_space<vmem>> -> memref<128x128xf32, #tpu.memory_space<vmem>>
    %dma_wait3A_117 = arith.constant 0 : i32
    %dma_wait3A_118 = tpu.memref_slice %arg4[%add3A_111, %dma_wait3A_117] : memref<819200x128xf32, #tpu.memory_space<hbm>> -> memref<128x128xf32, #tpu.memory_space<hbm>>
    %dma_wait3A_119 = arith.constant 0 : i32
    %dma_wait3A_120 = tpu.memref_slice %arg4[%add3A_111, %dma_wait3A_119] : memref<819200x128xf32, #tpu.memory_space<hbm>> -> memref<128x128xf32, #tpu.memory_space<hbm>>
    %dma_wait3A_121 = arith.constant 0 : i32
    %dma_wait3A_122 = arith.constant 0 : i32
    %dma_wait3A_123 = tpu.memref_slice %arg6[%dma_wait3A_112, %dma_wait3A_121, %dma_wait3A_122] : memref<4x128x128xf32, #tpu.memory_space<vmem>> -> memref<1x128x128xf32, #tpu.memory_space<vmem>>
    %dma_wait3A_124 = tpu.memref_squeeze %dma_wait3A_123 : memref<1x128x128xf32, #tpu.memory_space<vmem>> -> memref<128x128xf32, #tpu.memory_space<vmem>>
    tpu.wait_dma2 semaphore(%arg14 : memref<!tpu.dma_semaphore, #tpu.memory_space<semaphore_mem>>) src(%dma_wait3A_124 : memref<128x128xf32, #tpu.memory_space<vmem>>) dst(%dma_wait3A_120 : memref<128x128xf32, #tpu.memory_space<hbm>>)
    return
  }
}

</mosaic_0001>

<sc_bundles>
// kernel: kernel.3.cloned.1.call-start
scs
__scs_entry_jumppad:
0x0: {  	(pc) =	sbr.rel $0x88, $3  }
0x1: {  	(tag) =	ssettag $0x0;
	lr =	simm.s32 $0x1  }
0x2: {  	[smem:$0x3F9F] =	sst lr;
	_ =	strace $0xD0000000  }
0x3: {  	_ = 	snop  }
0x4: {  	_ = 	snop  }
0x5: {  	_ = 	snop  }
0x6: {  	_ = 	snop  }
0x7: {  	_ = 	snop  }
__scs_overlays_trampoline_lowered:
0x8: {  	[smem:$0x3FAE] =	sst s0  }
0x9: {  	[smem:$0x3FAF] =	sst s1  }
0xa: {  	[smem:$0x3FB0] =	sst s2  }
0xb: {  	[smem:$0x3FB1] =	sst s3  }
0xc: {  	[smem:$0x3FB2] =	sst s4  }
0xd: {  	[smem:$0x3FB3] =	sst s5  }
0xe: {  	[smem:$0x3FB4] =	sst s6  }
0xf: {  	[smem:$0x3FB5] =	sst s7  }
0x10: {  	[smem:$0x3FB6] =	sst s8  }
0x11: {  	[smem:$0x3FB7] =	sst s9;
	s0 =	simm.s32 @!p0 $0x0  }
0x12: {  	s1 =	sld [smem:$0x3F9D];
	s0 =	simm.s32 @p0 $0x1  }
0x13: {  	[smem:$0x3FB8] =	sst s0;
	s0 =	simm.s32 @!p1 $0x0  }
0x14: {  	s2 =	sld [smem:$0x3F9C];
	s0 =	simm.s32 @p1 $0x1  }
0x15: {  	[smem:$0x3FB9] =	sst s0;
	s0 =	simm.s32 @!p2 $0x0  }
0x16: {  	s3 =	sld [smem:$0x3FDB];
	s0 =	simm.s32 @p2 $0x1  }
0x17: {  	s4 =	simm.s32 $0x1BF5;
	[smem:$0x3FBB] =	sst s0  }
0x18: {  	s0 =	sld [smem:$0x3F9E];
	_ =	swait.ge [sflag:s4], $0x0  }
0x19: {  	s7 =	sld [smem:$0x3F9F]  }
0x1a: {  	s8 =	sadd.s32 $0xFFFFE003, lr  }
0x1b: {  	s9 =	sadd.s32 $0xFFFFFEF7, lr;
	s5 =	simm.s32 $0xFFFFFFFF;
	p2 =	slt.u32 s8, $0xFFFFF086  }
0x1c: {  	p1 =	slt.u32 s9, $0xF7A;
	s5 =	simm.s32 @!p2 $0x0  }
0x1d: {  	s5 =	simm.s32 @p1 $0x1;
	p0 =	seq.s32 s7, s2  }
0x1e: {  	s7 =	smul.u32 @!p0 $0xF7A, s2;
	p2 =	seq.s32 @!p0 s5, $0x0  }
0x1f: {  	s9 =	smul.u32 $0xF7A, s1;
	s8 =	simm.s32 @!p0 $0x1BF5;
	p2 =	por !p2, p0  }
0x20: {  	[sflag:s8] =	ssyncset.s32 @!p0 $0xFFFFF086;
	s6 =	sadd.s32 @!p0 s3, s7;
	s7 =	simm.s32 @!p0 $0x108  }
0x21: {  	s3 =	sadd.s32 s3, s9;
	s6 =	sadd.s32 @!p0 $0x88, s6;
	s7 =	simm.s32 @p2 $0x1082  }
0x22: {  	[simem:s7], [sflag:s8] =	dma.local @!p0 [hbm:s6], $0xF7A  }
0x23: {  	s9 =	sor.u32 $0xD0000000, s2;
	s6 =	simm.s32 $0x108;
	_ =	swait.ge @!p0 [sflag:s8], $0x0  }
0x24: {  	s3 =	sadd.s32 $0x88, s3;
	s6 =	simm.s32 @!p1 $0x1082;
	[sflag:s4] =	ssyncset.s32 $0xFFFFF086  }
0x25: {  	[simem:s6], [sflag:s4] =	dma.local [hbm:s3], $0xF7A  }
0x26: {  	[smem:$0x3F9F] =	sst s1;
	(tag) =	ssettag s2;
	_ =	strace s9  }
0x27: {  	s1 =	sld [smem:$0x3FAF]  }
0x28: {  	s2 =	sld [smem:$0x3FB0]  }
0x29: {  	s4 =	sld [smem:$0x3FB2]  }
0x2a: {  	p0 =	seq.s32 s5, $0x0;
	s5 =	sld [smem:$0x3FB3]  }
0x2b: {  	s6 =	sld [smem:$0x3FB4]  }
0x2c: {  	s7 =	sld [smem:$0x3FB5]  }
0x2d: {  	s3 =	simm.s32 $0x108;
	s8 =	sld [smem:$0x3FB6]  }
0x2e: {  	s3 =	simm.s32 @!p0 $0x1082;
	s9 =	sld [smem:$0x3FB7]  }
0x2f: {  	lr =	sadd.s32 s0, s3;
	s0 =	sld [smem:$0x3FAE]  }
0x30: {  	s3 =	sld [smem:$0x3FB1]  }
0x31: {  	[smem:$0x3FBA] =	sst s10  }
0x32: {  	s10 =	sld [smem:$0x3FB8];
	_ =	sdelay $0x3  }
0x33: {  	p0 =	seq.s32 s10, $0x1;
	s10 =	sld [smem:$0x3FBA];
	_ =	sdelay $0x3  }
0x34: {  	[smem:$0x3FBA] =	sst s10  }
0x35: {  	s10 =	sld [smem:$0x3FB9];
	_ =	sdelay $0x3  }
0x36: {  	p1 =	seq.s32 s10, $0x1;
	s10 =	sld [smem:$0x3FBA];
	_ =	sdelay $0x3  }
0x37: {  	[smem:$0x3FBA] =	sst s10  }
0x38: {  	s10 =	sld [smem:$0x3FBB]  }
0x39: {  	_ = 	snop;
	(pc) =	sbr.ind lr, $3  }
0x3a: {  	_ = 	snop  }
0x3b: {  	_ = 	snop  }
0x3c: {  	p2 =	seq.s32 s10, $0x1;
	s10 =	sld [smem:$0x3FBA]  }
0x3d: {  	_ =	shalt  }
0x3e: {  	_ =	shalt  }
0x3f: {  	_ =	shalt  }
0x40: {  	_ =	shalt  }
0x41: {  	_ =	shalt  }
0x42: {  	_ =	shalt  }
0x43: {  	_ =	shalt  }
0x44: {  	_ =	shalt  }
0x45: {  	_ =	shalt  }
0x46: {  	_ =	shalt  }
0x47: {  	_ =	shalt  }
0x48: {  	_ =	shalt  }
0x49: {  	_ =	shalt  }
0x4a: {  	_ =	shalt  }
0x4b: {  	_ =	shalt  }
0x4c: {  	_ =	shalt  }
0x4d: {  	_ =	shalt  }
0x4e: {  	_ =	shalt  }
0x4f: {  	_ =	shalt  }
0x50: {  	_ =	shalt  }
0x51: {  	_ =	shalt  }
0x52: {  	_ =	shalt  }
0x53: {  	_ =	shalt  }
0x54: {  	_ =	shalt  }
0x55: {  	_ =	shalt  }
0x56: {  	_ =	shalt  }
0x57: {  	_ =	shalt  }
0x58: {  	_ =	shalt  }
0x59: {  	_ =	shalt  }
0x5a: {  	_ =	shalt  }
0x5b: {  	_ =	shalt  }
0x5c: {  	_ =	shalt  }
0x5d: {  	_ =	shalt  }
0x5e: {  	_ =	shalt  }
0x5f: {  	_ =	shalt  }
0x60: {  	_ =	shalt  }
0x61: {  	_ =	shalt  }
0x62: {  	_ =	shalt  }
0x63: {  	_ =	shalt  }
0x64: {  	_ =	shalt  }
0x65: {  	_ =	shalt  }
0x66: {  	_ =	shalt  }
0x67: {  	_ =	shalt  }
0x68: {  	_ =	shalt  }
0x69: {  	_ =	shalt  }
0x6a: {  	_ =	shalt  }
0x6b: {  	_ =	shalt  }
0x6c: {  	_ =	shalt  }
0x6d: {  	_ =	shalt  }
0x6e: {  	_ =	shalt  }
0x6f: {  	_ =	shalt  }
0x70: {  	_ =	shalt  }
0x71: {  	_ =	shalt  }
0x72: {  	_ =	shalt  }
0x73: {  	_ =	shalt  }
0x74: {  	_ =	shalt  }
0x75: {  	_ =	shalt  }
0x76: {  	_ =	shalt  }
0x77: {  	_ =	shalt  }
0x78: {  	_ =	shalt  }
0x79: {  	_ =	shalt  }
0x7a: {  	_ =	shalt  }
0x7b: {  	_ =	shalt  }
0x7c: {  	_ =	shalt  }
0x7d: {  	_ =	shalt  }
0x7e: {  	_ =	shalt  }
0x7f: {  	_ =	shalt  }
0x80: {  	_ =	shalt  }
0x81: {  	_ =	shalt  }
0x82: {  	_ =	shalt  }
0x83: {  	_ =	shalt  }
0x84: {  	_ =	shalt  }
0x85: {  	_ =	shalt  }
0x86: {  	_ =	shalt  }
0x87: {  	_ =	shalt  }
.Lfunc_end0:
.L_simem_size_0:
called_computation_lowered:
.L_overlay_start_0:
0x88: {  	s2 =	sld [smem:$0x3FD9]  }
0x89: {  	s3 =	sld [smem:$0x3FFE];
	_ =	sdelay $0x1  }
0x8a: {  	s1 =	srdreg.scid  }
0x8b: {  	s0 =	sand.u32 $0x1, s1  }
0x8c: {  	s17 =	sshll.u32 s0, $0xA;
	s2 =	sadd.s32 s3, s2  }
0x8d: {  	s2 =	sadd.s32 s2, s17  }
0x8e: {  	[smem:$0x3FC6] =	sst s2  }
0x8f: {  	_ = 	snop  }
0x90: {  	s2 =	sld [smem:$0x3FC8]  }
0x91: {  	s18 =	sld [smem:$0x3FD0];
	(tm) =	ssettm $0x1  }
0x92: {  	s4 =	sld [smem:$0x3FFB];
	_ =	sdelay $0x3  }
0x93: {  	_ =	strace s4  }
0x94: {  	s4 =	sld [smem:$0x3FFC];
	_ =	sdelay $0x3  }
0x95: {  	_ =	strace s4  }
0x96: {  	s4 =	sld [smem:$0x3FFD];
	_ =	sdelay $0x3  }
0x97: {  	_ =	strace s4  }
0x98: {  	_ =	strace $0x8FFFFFFF  }
0x99: {  	s19 =	sld [smem:$0x3FDB];
	_ =	sdelay $0x1  }
0x9a: {  	s5 =	simm.s32 $_scs_section_size  }
0x9b: {  	s6 =	simm.s32 $_size__tile_overlayer_lowered;
	s7 =	simm.s32 $_tile_overlayer_lowered  }
0x9c: {  	s22 =	simm.s32 $0x1BFF;
	s21 =	sshll.u32 s7, $0x1;
	s4 =	sadd.s32 s5, s19  }
0x9d: {  	s8 =	simm.s32 $0x0;
	s20 =	sshll.u32 s6, $0x1;
	s6 =	sadd.s32 s21, s4  }
0x9e: {  	[timem:s8], [sflag:s22] =	dma.local [hbm:s6], s20  }
0x9f: {  	_ =	swait.ge [sflag:s22], s20  }
0xa0: {  	s5 =	ssub.s32 $0x0, s20;
	[sflag:s22] =	ssyncset.done $0x0  }
0xa1: {  	[sflag:s22] =	ssyncadd.s32 s5;
	_ =	sdelay $0x1  }
0xa2: {  	s23 =	simm.s32 $0x1B8B  }
0xa3: {  	_ =	swait.ge [sflag:s23], $0x1  }
0xa4: {  	[sflag:s23] =	ssyncset.done $0x0  }
0xa5: {  	s25 =	simm.s32 $0x1B8E;
	s24 =	sld [smem:$0x3FFE];
	[sflag:s23] =	ssyncadd.s32 $0xFFFFFFFF  }
0xa6: {  	s26 =	simm.s32 $execute0_lowered;
	[smem:$0x3FD2] =	sst s25  }
0xa7: {  	s6 =	sshll.u32 s26, $0x1;
	_ =	strace $0x80000046;
	[dreg:$0x1] =	wrdreg $0xFFFFFFFF  }
0xa8: {  	s28 =	simm.s32 $_size_execute0_lowered;
	s4 =	sadd.s32 s4, s6;
	[dreg:$0x0] =	wrdreg $0x0  }
0xa9: {  	s6 =	sshll.u32 s28, $0x1;
	[dreg:$0x2] =	wrdreg s4  }
0xaa: {  	[dreg:$0x3] =	wrdreg s6  }
0xab: {  	[dreg:$0x4] =	wrdreg $0xC0  }
0xac: {  	_ =	task [dreg:s8], $0x5FFFF  }
0xad: {  	[dreg:$0x1] =	wrdreg $0xFFFFFFFF  }
0xae: {  	[dreg:$0x0] =	wrdreg $0x60  }
0xaf: {  	[dreg:$0x2] =	wrdreg s24  }
0xb0: {  	[dreg:$0x3] =	wrdreg s2  }
0xb1: {  	[dreg:$0x4] =	wrdreg s18  }
0xb2: {  	[dreg:$0x5] =	wrdreg $0x9  }
0xb3: {  	_ =	task.clear_ibuf [dreg:s8], $0x6FFFF;
	_ =	strace $0x90000046  }
0xb4: {  	s29 =	simm.s32 $0x9;
	_ =	strace $0x80000048  }
0xb5: {  	_ =	swait.ge [sflag:s29], $0x1  }
0xb6: {  	[sflag:s29] =	ssyncadd.s32 $0xFFFFFFFF  }
0xb7: {  	_ =	strace $0x90000048  }
0xb8: {  	_ =	sfence  }
0xb9: {  	s30 =	sld [smem:$0x0];
	_ =	sdelay $0x2  }
0xba: {  	s31 =	sshll.u32 s1, $0xD;
	s1 =	sshrl.u32 s1, $0x2  }
0xbb: {  	s3 =	sand.u32 $0x4000, s31;
	s1 =	sadd.s32 s1, s30  }
0xbc: {  	s0 =	sor.u32 s3, s0;
	s1 =	sshll.u32 s1, $0x11  }
0xbd: {  	s0 =	sor.u32 s1, s0  }
0xbe: {  	s0 =	sadd.s32 $0x8F2B, s0  }
0xbf: {  	[sflag:s0] =	ssyncadd.remote.s32 $0x1  }
0xc0: {  	_ =	sfence.sel $0xFFFF  }
0xc1: {  	[dreg:$0x0] =	wrdreg $0xFFFFFFFF;
	(pc) =	sbr.abs _section_cstart, $3  }
0xc2: {  	[dreg:$0x1] =	wrdreg $0xFFFFFFFF  }
0xc3: {  	_ =	task.clear_ibuf [dreg:s8], $0x2FFFF;
	_ =	strace $0x9FFFFFFF  }
0xc4: {  	(tm) =	ssettm $0x7FFFFFFF  }
0xc5: {  	_ =	shalt  }
tec
execute0_lowered:
.L_overlay_start_1:
0x0: {  	(tag) =	ssettag $0x1  }
0x1: {  	s0 =	rddreg [dreg:$0x0]  }
0x2: {  	s2 =	rddreg [dreg:$0x1]  }
0x3: {  	s8 =	rddreg [dreg:$0x2]  }
0x4: {  	s1 =	srdreg.scid;
	s11 =	stileid.u32;
	s3 =	simm.s32 $0x0  }
0x5: {  	s15 =	simm.s32 $0x9;
	s28 =	simm.s32 $0x5;
	s6 =	smul.u32 $0x640000, s11  }
0x6: {  	s29 =	simm.s32 $0x6;
	s30 =	simm.s32 $0x7;
	s9 =	smul.u32 $0xC800, s11  }
0x7: {  	s1 =	sand.u32 $0x1, s1;
	s4 =	sshll.u32 s11, $0x1;
	s11 =	smul.u32 $0xC8000, s11  }
0x8: {  	s31 =	simm.s32 $0x8;
	[smem:$0x7FF] =	sst s3;
	s16 =	smul.u32 $0x6400, s1  }
0x9: {  	s0 =	sadd.s32 $0x400, s0;
	s4 =	sor.u32 s1, s4;
	s18 =	smul.u32 $0x320000, s1  }
0xa: {  	_ =	strace $0x80000047;
	s5 =	ssub.s32 $0x2, s1;
	s13 =	smul.u32 $0x64000, s1  }
0xb: {  	s4 =	smul.u32 $0x6400, s4;
	s7 =	sshrl.u32 s5, $0x1;
	s26 =	sadd.s32 s11, s8  }
0xc: {  	s5 =	ssub.s32 s5, s7;
	s20 =	sadd.s32 s16, s9;
	s6 =	sadd.s32 s18, s6  }
0xd: {  	s14 =	sadd.s32 s13, s26;
	s16 =	simm.s32 $0x80;
	s18 =	simm.s32 $0x4200  }
0xe: {  	s26 =	simm.s32 $0x4;
	s4 =	sshrl.u32 s4, $0x3;
	s19 =	smax.u32 s5, $0x1  }
0xf: {  	s7 =	sor.u32 $0x380, s20;
	s9 =	sor.u32 $0x300, s20;
	s6 =	sshrl.u32 s6, $0x3  }
0x10: {  	s24 =	sor.u32 $0x280, s20;
	s5 =	sor.u32 $0x200, s20;
	s20 =	simm.s32 $0x8200  }
0x11: {  	s4 =	sadd.s32 s0, s4;
	[dreg:$0x8] =	wrdreg s19;
	s7 =	sshrl.u32 s7, $0x3  }
0x12: {  	s21 =	sshrl.u32 s9, $0x3;
	s10 =	sadd.s32 $0x10, s4;
	[dreg:$0x4] =	wrdreg s4  }
0x13: {  	s9 =	sadd.s32 s6, s8;
	s17 =	sadd.s32 $0x20, s4;
	[dreg:$0x5] =	wrdreg s10  }
0x14: {  	s12 =	sshrl.u32 s5, $0x3;
	s4 =	sadd.s32 $0x30, s4;
	[dreg:$0x6] =	wrdreg s17  }
0x15: {  	s19 =	simm.s32 $0x100;
	s22 =	sadd.s32 s7, s0;
	[dreg:$0x7] =	wrdreg s4  }
0x16: {  	s23 =	sadd.s32 s21, s0;
	s21 =	simm.s32 $0x180;
	[dreg:$0x9] =	wrdreg s22  }
0x17: {  	[dreg:$0xa] =	wrdreg s23;
	s10 =	sshrl.u32 s24, $0x3;
	s17 =	simm.s32 $0x200  }
0x18: {  	s22 =	simm.s32 $0xC200;
	s23 =	simm.s32 $0x1;
	s25 =	sadd.s32 s10, s0  }
0x19: {  	s24 =	simm.s32 $0x2;
	s0 =	sadd.s32 s12, s0;
	[dreg:$0xb] =	wrdreg s25  }
0x1a: {  	[dreg:$0xc] =	wrdreg s0;
	s25 =	simm.s32 $0x3;
	s0 =	simm.s32 $0x0  }
.LBB2_1:
0x1b: {  	s1 =	rddreg [dreg:$0x4]  }
0x1c: {  	[tilespmem:s3], [sflag:$0x9] =	stream.linear.gather [hbm4b:s1+s3], $0x80, $0x38;
	[tilespmem:$0x10200] =	vst v63  }
0x1d: {  	_ =	swait.ge [sflag:s15], $0x80  }
0x1e: {  	[sflag:s15] =	ssyncset.done $0x0  }
0x1f: {  	[sflag:s15] =	ssyncadd.s32 $0xFFFFFF80  }
0x20: {  	[tilespmem:s17], [sflag:$0x1] =	stream.indirect.gather [hbm4b:s2+s16], $0x80, s3, s16, $0xb8;
	[tilespmem:$0x10200] =	vst v63  }
0x21: {  	s11 =	rddreg [dreg:$0x5]  }
0x22: {  	[tilespmem:s16], [sflag:$0x9] =	stream.linear.gather [hbm4b:s11+s3], $0x80, $0x38;
	[tilespmem:$0x10200] =	vst v63  }
0x23: {  	_ =	swait.ge [sflag:s15], $0x80  }
0x24: {  	[sflag:s15] =	ssyncset.done $0x0  }
0x25: {  	[sflag:s15] =	ssyncadd.s32 $0xFFFFFF80  }
0x26: {  	[tilespmem:s18], [sflag:$0x2] =	stream.indirect.gather [hbm4b:s2+s16], $0x80, s16, s16, $0xb8;
	[tilespmem:$0x10200] =	vst v63  }
0x27: {  	s12 =	rddreg [dreg:$0x6]  }
0x28: {  	[tilespmem:s19], [sflag:$0x9] =	stream.linear.gather [hbm4b:s12+s3], $0x80, $0x38;
	[tilespmem:$0x10200] =	vst v63  }
0x29: {  	_ =	swait.ge [sflag:s15], $0x80  }
0x2a: {  	[sflag:s15] =	ssyncset.done $0x0  }
0x2b: {  	[sflag:s15] =	ssyncadd.s32 $0xFFFFFF80  }
0x2c: {  	[tilespmem:s20], [sflag:$0x3] =	stream.indirect.gather [hbm4b:s2+s16], $0x80, s19, s16, $0xb8;
	[tilespmem:$0x10200] =	vst v63  }
0x2d: {  	s13 =	rddreg [dreg:$0x7]  }
0x2e: {  	[tilespmem:s21], [sflag:$0x9] =	stream.linear.gather [hbm4b:s13+s3], $0x80, $0x38;
	[tilespmem:$0x10200] =	vst v63  }
0x2f: {  	_ =	swait.ge [sflag:s15], $0x80  }
0x30: {  	s13 =	rddreg [dreg:$0xc]  }
0x31: {  	s12 =	rddreg [dreg:$0xb]  }
0x32: {  	[sflag:s15] =	ssyncset.done $0x0;
	s11 =	rddreg [dreg:$0xa]  }
0x33: {  	s8 =	simm.s32 $0x0;
	s10 =	rddreg [dreg:$0x9];
	[sflag:s15] =	ssyncadd.s32 $0xFFFFFF80  }
0x34: {  	[tilespmem:s22], [sflag:$0x4] =	stream.indirect.gather [hbm4b:s2+s16], $0x80, s21, s16, $0xb8;
	[tilespmem:$0x10200] =	vst v63  }
.LBB2_2:
0x35: {  	_ =	swait.ge [sflag:s23], $0x4000  }
0x36: {  	[sflag:s23] =	ssyncset.done $0x0  }
0x37: {  	s4 =	sadd.s32 s8, s9;
	[sflag:s23] =	ssyncadd.s32 $0xFFFFC000  }
0x38: {  	[hbm4b:s4+s3] =	stream.linear.scatter [tilespmem:s17], [sflag:$0x5], $0x4000, $0x38;
	[tilespmem:$0x10200] =	vst v63  }
0x39: {  	_ =	swait.ge [sflag:s24], $0x4000  }
0x3a: {  	s5 =	sadd.s32 s8, s14;
	[sflag:s24] =	ssyncset.done $0x0  }
0x3b: {  	s7 =	sadd.s32 $0x800, s5;
	[sflag:s24] =	ssyncadd.s32 $0xFFFFC000  }
0x3c: {  	[hbm4b:s7+s3] =	stream.linear.scatter [tilespmem:s18], [sflag:$0x6], $0x4000, $0x38;
	[tilespmem:$0x10200] =	vst v63  }
0x3d: {  	_ =	swait.ge [sflag:s25], $0x4000  }
0x3e: {  	[sflag:s25] =	ssyncset.done $0x0  }
0x3f: {  	s6 =	sadd.s32 $0x1000, s5;
	[sflag:s25] =	ssyncadd.s32 $0xFFFFC000  }
0x40: {  	[hbm4b:s6+s3] =	stream.linear.scatter [tilespmem:s20], [sflag:$0x7], $0x4000, $0x38;
	[tilespmem:$0x10200] =	vst v63  }
0x41: {  	_ =	swait.ge [sflag:s26], $0x4000  }
0x42: {  	[sflag:s26] =	ssyncset.done $0x0  }
0x43: {  	p0 =	seq.s32 s8, $0x62000;
	s4 =	sadd.s32 $0x1800, s5;
	[sflag:s26] =	ssyncadd.s32 $0xFFFFC000  }
0x44: {  	[hbm4b:s4+s3] =	stream.linear.scatter [tilespmem:s22], [sflag:$0x8], $0x4000, $0x38;
	[tilespmem:$0x10200] =	vst v63  }
0x45: {  	s4 =	simm.s32 @!p0 $0x5  }
0x46: {  	_ =	swait.ge @!p0 [sflag:s4], $0x4000  }
0x47: {  	[sflag:s4] =	ssyncset.done @!p0 $0x0  }
0x48: {  	s7 =	simm.s32 @!p0 $0x9;
	[sflag:s4] =	ssyncadd.s32 @!p0 $0xFFFFC000;
	s4 =	simm.s32 @!p0 $0x0  }
0x49: {  	[tilespmem:s4], [sflag:$0x9] =	stream.linear.gather @!p0 [hbm4b:s13+s4], $0x80, $0x38;
	[tilespmem:$0x10200] =	vst v63  }
0x4a: {  	_ =	swait.ge @!p0 [sflag:s7], $0x80  }
0x4b: {  	[sflag:s7] =	ssyncset.done @!p0 $0x0  }
0x4c: {  	s5 =	simm.s32 @!p0 $0x200;
	s6 =	simm.s32 @!p0 $0x80;
	[sflag:s7] =	ssyncadd.s32 @!p0 $0xFFFFFF80  }
0x4d: {  	[tilespmem:s5], [sflag:$0x1] =	stream.indirect.gather @!p0 [hbm4b:s2+s6], $0x80, s4, s6, $0xb8;
	[tilespmem:$0x10200] =	vst v63  }
0x4e: {  	s5 =	simm.s32 @!p0 $0x6  }
0x4f: {  	_ =	swait.ge @!p0 [sflag:s5], $0x4000  }
0x50: {  	[sflag:s5] =	ssyncset.done @!p0 $0x0  }
0x51: {  	[sflag:s5] =	ssyncadd.s32 @!p0 $0xFFFFC000  }
0x52: {  	[tilespmem:s6], [sflag:$0x9] =	stream.linear.gather @!p0 [hbm4b:s12+s4], $0x80, $0x38;
	[tilespmem:$0x10200] =	vst v63  }
0x53: {  	_ =	swait.ge @!p0 [sflag:s7], $0x80  }
0x54: {  	[sflag:s7] =	ssyncset.done @!p0 $0x0  }
0x55: {  	s5 =	simm.s32 @!p0 $0x4200;
	[sflag:s7] =	ssyncadd.s32 @!p0 $0xFFFFFF80  }
0x56: {  	[tilespmem:s5], [sflag:$0x2] =	stream.indirect.gather @!p0 [hbm4b:s2+s6], $0x80, s6, s6, $0xb8;
	[tilespmem:$0x10200] =	vst v63  }
0x57: {  	s5 =	simm.s32 @!p0 $0x7  }
0x58: {  	_ =	swait.ge @!p0 [sflag:s5], $0x4000  }
0x59: {  	[sflag:s5] =	ssyncset.done @!p0 $0x0  }
0x5a: {  	[sflag:s5] =	ssyncadd.s32 @!p0 $0xFFFFC000;
	s5 =	simm.s32 @!p0 $0x100  }
0x5b: {  	[tilespmem:s5], [sflag:$0x9] =	stream.linear.gather @!p0 [hbm4b:s11+s4], $0x80, $0x38;
	[tilespmem:$0x10200] =	vst v63  }
0x5c: {  	_ =	swait.ge @!p0 [sflag:s7], $0x80  }
0x5d: {  	[sflag:s7] =	ssyncset.done @!p0 $0x0  }
0x5e: {  	s1 =	simm.s32 @!p0 $0x8200;
	[sflag:s7] =	ssyncadd.s32 @!p0 $0xFFFFFF80  }
0x5f: {  	[tilespmem:s1], [sflag:$0x3] =	stream.indirect.gather @!p0 [hbm4b:s2+s6], $0x80, s5, s6, $0xb8;
	[tilespmem:$0x10200] =	vst v63  }
0x60: {  	s1 =	simm.s32 @!p0 $0x8  }
0x61: {  	s8 =	sadd.s32 @!p0 $0x2000, s8;
	_ =	swait.ge @!p0 [sflag:s1], $0x4000  }
0x62: {  	p1 =	sne.s32 @!p0 s8, $0x64000;
	[sflag:s1] =	ssyncset.done @!p0 $0x0  }
0x63: {  	p1 =	por p0, !p1;
	[sflag:s1] =	ssyncadd.s32 @!p0 $0xFFFFC000;
	s1 =	simm.s32 @!p0 $0x180  }
0x64: {  	[tilespmem:s1], [sflag:$0x9] =	stream.linear.gather @!p0 [hbm4b:s10+s4], $0x80, $0x38;
	[tilespmem:$0x10200] =	vst v63  }
.Ltmp0:
0x65: {  	_ = 	snop;
	(pc) =	sbr.rel @!p1 .LBB2_2-.Ltmp0, $4  }
0x66: {  	s13 =	sadd.s32 @!p0 $0x40, s13;
	_ =	swait.ge @!p0 [sflag:s7], $0x80  }
0x67: {  	s12 =	sadd.s32 @!p0 $0x40, s12;
	s11 =	sadd.s32 @!p0 $0x40, s11;
	[sflag:s7] =	ssyncset.done @!p0 $0x0  }
0x68: {  	s4 =	simm.s32 @!p0 $0xC200;
	s10 =	sadd.s32 @!p0 $0x40, s10;
	[sflag:s7] =	ssyncadd.s32 @!p0 $0xFFFFFF80  }
0x69: {  	[tilespmem:s4], [sflag:$0x4] =	stream.indirect.gather @!p0 [hbm4b:s2+s6], $0x80, s1, s6, $0xb8;
	[tilespmem:$0x10200] =	vst v63  }
0x6a: {  	_ =	swait.ge [sflag:s28], $0x4000  }
0x6b: {  	[sflag:s28] =	ssyncset.done $0x0  }
0x6c: {  	[sflag:s28] =	ssyncadd.s32 $0xFFFFC000  }
0x6d: {  	_ =	swait.ge [sflag:s29], $0x4000  }
0x6e: {  	[sflag:s29] =	ssyncset.done $0x0  }
0x6f: {  	[sflag:s29] =	ssyncadd.s32 $0xFFFFC000  }
0x70: {  	_ =	swait.ge [sflag:s30], $0x4000  }
0x71: {  	[sflag:s30] =	ssyncset.done $0x0  }
0x72: {  	[sflag:s30] =	ssyncadd.s32 $0xFFFFC000  }
0x73: {  	_ =	swait.ge [sflag:s31], $0x4000  }
0x74: {  	s0 =	sadd.s32 $0x1, s0;
	s1 =	rddreg [dreg:$0x8]  }
0x75: {  	p0 =	sne.s32 s0, s1  }
.Ltmp1:
0x76: {  	_ = 	snop;
	(pc) =	sbr.rel @p0 .LBB2_1-.Ltmp1, $3  }
0x77: {  	_ =	sdelay $0x1  }
0x78: {  	[sflag:s31] =	ssyncset.done $0x0  }
0x79: {  	[sflag:s31] =	ssyncadd.s32 $0xFFFFC000  }
0x7a: {  	_ =	sfence.sel $0x180000  }
0x7b: {  	[bflag:$0x0] =	sbarrier.arrive $0xFFFF  }
0x7c: {  	_ =	strace $0x90000047  }
0x7d: {  	s0 =	stileid.u32;
	[bflag:$0x2] =	sbarrier.arrive $0xFFFF  }
0x7e: {  	p0 =	sne.s32 s0, $0x0;
	s0 =	rddreg [dreg:$0x3]  }
0x7f: {  	s0 =	sadd.s32 @!p0 $0x100000, s0  }
0x80: {  	[sflag:s0] =	ssyncadd.tile.s32 @!p0 $0x1;
	_ =	shalt  }
.Lfunc_end2:
_tile_overlayer_lowered:
.L_overlay_start_2:
0x81: {  	(tag) =	ssettag $0x2  }
0x82: {  	s0 =	rddreg [dreg:$0x0];
	s2 =	stileid.u32  }
0x83: {  	s1 =	rddreg [dreg:$0x1];
	p0 =	sne.s32 s2, $0x0  }
0x84: {  	s3 =	rddreg [dreg:$0x2];
	[bflag:$0x3] =	sbarrier.arrive $0xFFFF;
	s2 =	simm.s32 @!p0 $0x1C09  }
0x85: {  	[timem:s3], [sflag:s2] =	dma.local @!p0 [hbm:s0], s1  }
0x86: {  	s0 =	simm.s32 @!p0 $0x9  }
0x87: {  	_ =	swait.ge @!p0 [sflag:s0], s1  }
0x88: {  	s1 =	ssub.s32 @!p0 $0x0, s1;
	[sflag:s0] =	ssyncset.done @!p0 $0x0  }
0x89: {  	[sflag:s0] =	ssyncadd.s32 @!p0 s1  }
0x8a: {  	[bflag:$0x3] =	sbarrier.arrive $0xFFFF  }
0x8b: {  	_ =	shalt  }

</sc_bundles>
